<compile_context>
chip_gen: v7x
topology: tpu7x:2x2x1
jax: 0.10.2.dev20260603
libtpu: 0.0.44.dev20260713+nightly
codegen_flags: <defaults>
</compile_context>

<pallas_src>
import functools

import jax
import jax.numpy as jnp
from jax import lax
from jax.experimental import pallas as pl
from jax.experimental.pallas import tpu as pltpu
from jax.experimental.pallas import tpu_sc as plsc

_CHUNK = 128
_NTILES = 32
_NPAD = 10240
_NCH = 80


def _edge_scatter_kernel(n, d, e):
    nch_total = e // _CHUNK
    nch_base = nch_total // _NTILES
    nch_rem = nch_total % _NTILES
    rows_per_tile = n // 16

    mesh = plsc.VectorSubcoreMesh(core_axis_name="c", subcore_axis_name="s")

    @functools.partial(
        pl.kernel,
        out_type=jax.ShapeDtypeStruct((2 * n, d), jnp.float32),
        mesh=mesh,
        scratch_types=[
            pltpu.VMEM((2, _CHUNK), jnp.int32),
            pltpu.VMEM((_CHUNK, d), jnp.float32),
            pltpu.VMEM_SHARED((n, d), jnp.float32),
            pltpu.SemaphoreType.DMA,
        ],
    )
    def body(idx_hbm, hs_hbm, zeros_hbm, out_hbm, idxb, rows, acc, sem):
        cid = lax.axis_index("c")
        sid = lax.axis_index("s")
        wid = sid * 2 + cid
        row0 = sid * rows_per_tile

        @pl.when(cid == 0)
        def _():
            pltpu.sync_copy(hs_hbm.at[pl.ds(row0, rows_per_tile)],
                            acc.at[pl.ds(row0, rows_per_tile)])

        @pl.when(cid != 0)
        def _():
            pltpu.sync_copy(zeros_hbm.at[pl.ds(row0, rows_per_tile)],
                            acc.at[pl.ds(row0, rows_per_tile)])

        plsc.subcore_barrier()

        nch = nch_base + jnp.where(wid < nch_rem, 1, 0)

        def step(k, carry):
            c = wid + _NTILES * k
            pltpu.sync_copy(idx_hbm.at[c], idxb)
            pltpu.async_copy(hs_hbm.at[idxb.at[0]], rows, sem).wait()
            pltpu.sync_copy(rows, acc.at[idxb.at[1]], add=True)
            return carry

        lax.fori_loop(0, nch, step, 0)

        plsc.subcore_barrier()
        pltpu.sync_copy(acc.at[pl.ds(row0, rows_per_tile)],
                        out_hbm.at[pl.ds(cid * n + row0, rows_per_tile)])

    return body


def _deg_kernel():
    stripe = _NPAD // 16

    mesh = plsc.VectorSubcoreMesh(core_axis_name="c", subcore_axis_name="s")

    @functools.partial(
        pl.kernel,
        out_type=jax.ShapeDtypeStruct((2 * _NPAD,), jnp.float32),
        mesh=mesh,
        scratch_types=[
            pltpu.VMEM((_NCH, _CHUNK), jnp.int32),
            pltpu.VMEM((_CHUNK,), jnp.float32),
            pltpu.VMEM_SHARED((_NPAD,), jnp.float32),
            pltpu.SemaphoreType.DMA,
        ],
    )
    def body(dst_hbm, zeros_hbm, out_hbm, didx, ones, acc, sem):
        cid = lax.axis_index("c")
        sid = lax.axis_index("s")
        wid = sid * 2 + cid
        row0 = sid * stripe

        for i in range(_CHUNK // 16):
            ones[pl.ds(i * 16, 16)] = jnp.full((16,), 1.0, jnp.float32)

        pltpu.sync_copy(zeros_hbm.at[pl.ds(row0, stripe)],
                        acc.at[pl.ds(row0, stripe)])
        pltpu.sync_copy(dst_hbm.at[wid], didx)
        plsc.subcore_barrier()

        def step(k, carry):
            pltpu.async_copy(ones, acc.at[didx.at[k]], sem, add=True)
            return carry

        lax.fori_loop(0, _NCH, step, 0)
        pltpu.make_async_copy(dst_hbm.at[wid], didx, sem).wait()

        plsc.subcore_barrier()
        pltpu.sync_copy(acc.at[pl.ds(row0, stripe)],
                        out_hbm.at[pl.ds(cid * _NPAD + row0, stripe)])

    return body


def _tc_first(degb, x, w1):
    n, din = x.shape
    dh = w1.shape[1]
    blk = 2048
    grid = n // blk

    def body(deg_ref, x_ref, w_ref, hs_ref, dinv_ref):
        deg = deg_ref[...]
        d = deg[:, 0:1] + deg[:, 1:2] + 1.0
        dinv = lax.rsqrt(d)
        h = jnp.dot(x_ref[...], w_ref[...], preferred_element_type=jnp.float32)
        hs_ref[...] = h * dinv
        dinv_ref[...] = dinv

    return pl.pallas_call(
        body,
        grid=(grid,),
        in_specs=[
            pl.BlockSpec((blk, 2), lambda i: (i, 0)),
            pl.BlockSpec((blk, din), lambda i: (i, 0)),
            pl.BlockSpec((din, dh), lambda i: (0, 0)),
        ],
        out_specs=[
            pl.BlockSpec((blk, dh), lambda i: (i, 0)),
            pl.BlockSpec((blk, 1), lambda i: (i, 0)),
        ],
        out_shape=[
            jax.ShapeDtypeStruct((n, dh), jnp.float32),
            jax.ShapeDtypeStruct((n, 1), jnp.float32),
        ],
    )(degb, x, w1)


def _tc_mid(p0, p1, dinv, b1, w2):
    n, dh = p0.shape
    blk = 2048
    grid = n // blk

    def body(p0_ref, p1_ref, dinv_ref, b_ref, w_ref, hs_ref):
        dinv = dinv_ref[...]
        t = jnp.maximum(dinv * (p0_ref[...] + p1_ref[...]) + b_ref[...], 0.0)
        h = jnp.dot(t, w_ref[...], preferred_element_type=jnp.float32)
        hs_ref[...] = h * dinv

    return pl.pallas_call(
        body,
        grid=(grid,),
        in_specs=[
            pl.BlockSpec((blk, dh), lambda i: (i, 0)),
            pl.BlockSpec((blk, dh), lambda i: (i, 0)),
            pl.BlockSpec((blk, 1), lambda i: (i, 0)),
            pl.BlockSpec((1, dh), lambda i: (0, 0)),
            pl.BlockSpec((dh, dh), lambda i: (0, 0)),
        ],
        out_specs=pl.BlockSpec((blk, dh), lambda i: (i, 0)),
        out_shape=jax.ShapeDtypeStruct((n, dh), jnp.float32),
    )(p0, p1, dinv, b1, w2)


def _tc_final(p0, p1, dinv, b2, batch2, wc, bc, n_graphs):
    n, dh = p0.shape
    ncls = wc.shape[1]
    blk = 2048
    grid = n // blk

    def body(p0_ref, p1_ref, dinv_ref, b_ref, batch_ref, wc_ref, bc_ref,
             out_ref, sums, cnt):
        pid = pl.program_id(0)

        @pl.when(pid == 0)
        def _():
            sums[...] = jnp.zeros_like(sums)
            cnt[...] = jnp.zeros_like(cnt)

        dinv = dinv_ref[...]
        t = jnp.maximum(dinv * (p0_ref[...] + p1_ref[...]) + b_ref[...], 0.0)
        seg = batch_ref[...]
        onehot = (seg == lax.broadcasted_iota(jnp.int32, (1, n_graphs), 1))
        onehot = onehot.astype(jnp.float32)
        sums[...] += lax.dot_general(
            onehot, t, (((0,), (0,)), ((), ())),
            preferred_element_type=jnp.float32)
        c = jnp.sum(onehot, axis=0)[:, None]
        cnt[...] += jnp.broadcast_to(c, cnt.shape)

        @pl.when(pid == grid - 1)
        def _():
            pooled = sums[...] / jnp.maximum(cnt[...], 1.0)
            out_ref[...] = (
                jnp.dot(pooled, wc_ref[...],
                        preferred_element_type=jnp.float32) + bc_ref[...])

    return pl.pallas_call(
        body,
        grid=(grid,),
        in_specs=[
            pl.BlockSpec((blk, dh), lambda i: (i, 0)),
            pl.BlockSpec((blk, dh), lambda i: (i, 0)),
            pl.BlockSpec((blk, 1), lambda i: (i, 0)),
            pl.BlockSpec((1, dh), lambda i: (0, 0)),
            pl.BlockSpec((blk, 1), lambda i: (i, 0)),
            pl.BlockSpec((dh, ncls), lambda i: (0, 0)),
            pl.BlockSpec((1, ncls), lambda i: (0, 0)),
        ],
        out_specs=pl.BlockSpec((n_graphs, ncls), lambda i: (0, 0)),
        out_shape=jax.ShapeDtypeStruct((n_graphs, ncls), jnp.float32),
        scratch_shapes=[
            pltpu.VMEM((n_graphs, dh), jnp.float32),
            pltpu.VMEM((n_graphs, dh), jnp.float32),
        ],
    )(p0, p1, dinv, b2, batch2, wc, bc)


def kernel(x, edge_index, batch, W1, b1, W2, b2, Wc, bc):
    n, din = x.shape
    e = edge_index.shape[1]
    dh = W1.shape[1]
    n_graphs = 64
    np_ = _NPAD

    src = edge_index[0]
    dst = edge_index[1]
    ep = _NTILES * _NCH * _CHUNK
    dstp = jnp.pad(dst, (0, ep - e), constant_values=np_ - 1)
    dst3 = dstp.reshape(_NTILES, _NCH, _CHUNK)

    xp = jnp.pad(x, ((0, np_ - n), (0, 0)))
    batchp = jnp.pad(batch, (0, np_ - n), constant_values=n_graphs)
    zeros2d = jnp.zeros((np_, dh), jnp.float32)
    zeros1 = jnp.zeros((np_,), jnp.float32)

    degp = _deg_kernel()(dst3, zeros1)
    degb = degp.reshape(2, np_).T

    hs1, dinv = _tc_first(degb, xp, W1)

    edge_fn = _edge_scatter_kernel(np_, dh, e)

    idx3 = jnp.stack([src, dst]).reshape(2, e // _CHUNK, _CHUNK)
    idx3 = idx3.transpose(1, 0, 2)

    s1 = edge_fn(idx3, hs1, zeros2d)
    hs2 = _tc_mid(s1[:np_], s1[np_:], dinv, b1.reshape(1, dh), W2)

    s2 = edge_fn(idx3, hs2, zeros2d)
    logits = _tc_final(s2[:np_], s2[np_:], dinv, b2.reshape(1, dh),
                       batchp.reshape(np_, 1), Wc, bc.reshape(1, -1), n_graphs)
    return logits

# --- scband reference (transcript-rebuilt; emitter-appended) ---
"""Pipeline reference for scband-depression-classifier-70815420776787 (READ-ONLY COPY).

The authoritative reference and input builder live on the scoring server;
editing this copy changes nothing except your own understanding.
"""

import jax, jax.numpy as jnp
import numpy as np

N = 10000
E = 320000
D_IN = 128
D_HID = 128
N_CLASSES = 2
N_GRAPHS = 64


def setup_inputs(seed: int = 0) -> dict:
    key = jax.random.key(seed)
    ks = jax.random.split(key, 10)
    x = jax.random.normal(ks[0], (N, D_IN), dtype=jnp.float32)
    edge_index = jax.random.randint(ks[1], (2, E), 0, N, dtype=jnp.int32)
    batch = jnp.sort(jax.random.randint(ks[2], (N,), 0, N_GRAPHS, dtype=jnp.int32))
    W1 = jax.random.normal(ks[3], (D_IN, D_HID), dtype=jnp.float32) * (1.0 / np.sqrt(D_IN))
    b1 = jnp.zeros((D_HID,), dtype=jnp.float32)
    W2 = jax.random.normal(ks[4], (D_HID, D_HID), dtype=jnp.float32) * (1.0 / np.sqrt(D_HID))
    b2 = jnp.zeros((D_HID,), dtype=jnp.float32)
    Wc = jax.random.normal(ks[5], (D_HID, N_CLASSES), dtype=jnp.float32) * (1.0 / np.sqrt(D_HID))
    bc = jnp.zeros((N_CLASSES,), dtype=jnp.float32)
    return {"x": x, "edge_index": edge_index, "batch": batch, "W1": W1, "b1": b1, "W2": W2, "b2": b2, "Wc": Wc, "bc": bc}


def _gcn_layer(x, src, dst, norm, W, b):
    h = x @ W
    msg = h[src] * norm[:, None]
    agg = jnp.zeros((x.shape[0], W.shape[1]), dtype=h.dtype).at[dst].add(msg)
    return agg + b


def reference(x, edge_index, batch, W1, b1, W2, b2, Wc, bc):
    n = x.shape[0]
    sl = jnp.arange(n, dtype=edge_index.dtype)
    src = jnp.concatenate([edge_index[0], sl])
    dst = jnp.concatenate([edge_index[1], sl])
    deg = jnp.zeros((n,), jnp.float32).at[dst].add(1.0)
    dinv = jnp.where(deg > 0, 1.0 / jnp.sqrt(deg), 0.0)
    norm = dinv[src] * dinv[dst]
    h = jax.nn.relu(_gcn_layer(x, src, dst, norm, W1, b1))
    h = jax.nn.relu(_gcn_layer(h, src, dst, norm, W2, b2))
    sums = jax.ops.segment_sum(h, batch, num_segments=N_GRAPHS)
    cnt = jax.ops.segment_sum(jnp.ones((n, 1), jnp.float32), batch, num_segments=N_GRAPHS)
    pooled = sums / jnp.maximum(cnt, 1.0)
    # dropout is identity in eval mode
    logits = pooled @ Wc + bc
    return logits

if __name__ == "__main__":
    import jax
    _d = setup_inputs()
    print(jax.jit(kernel)(*tuple(_d.values())))

</pallas_src>

<mosaic_0001>
#map = affine_map<(d0, d1) -> (0, 0, 0)>
#map1 = affine_map<(d0, d1) -> (0, 0)>
module attributes {stable_mosaic.version = 14 : i64} {
  func.func @body(%arg0: i32, %arg1: i32, %arg2: memref<2500x2x128xi32, #tpu.memory_space<hbm>>, %arg3: memref<10240x128xf32, #tpu.memory_space<hbm>>, %arg4: memref<10240x128xf32, #tpu.memory_space<hbm>>, %arg5: memref<20480x128xf32, #tpu.memory_space<hbm>>, %arg6: memref<2x128xi32, #tpu.memory_space<vmem>>, %arg7: memref<128x128xf32, #tpu.memory_space<vmem>>, %arg8: memref<10240x128xf32, #tpu.memory_space<vmem_shared>>, %arg9: memref<!tpu.dma_semaphore, #tpu.memory_space<semaphore_mem>>) attributes {dimension_semantics = [#tpu.dimension_semantics<core_parallel>, #tpu.dimension_semantics<subcore_parallel>], iteration_bounds = array<i64: 2, 16>, scalar_prefetch = 0 : i64, scratch_operands = 4 : i64, tpu.core_type = #tpu.core_type<sc_vector_subcore>, window_params = [{transform_indices = #map}, {transform_indices = #map1}, {transform_indices = #map1}, {transform_indices = #map1}]} {
    %mul3A = arith.constant 2 : i32
    %mul3A_0 = arith.muli %arg1, %mul3A : i32
    %add3A = arith.addi %mul3A_0, %arg0 : i32
    %mul3A_1 = arith.constant 640 : i32
    %mul3A_2 = arith.muli %arg1, %mul3A_1 : i32
    %eq3A = arith.constant 0 : i32
    %eq3A_3 = arith.cmpi eq, %arg0, %eq3A : i32
    %convert_element_type3A = arith.extui %eq3A_3 : i1 to i32
    %cond3A = arith.constant 0 : i32
    %cond3A_4 = arith.cmpi ne, %convert_element_type3A, %cond3A : i32
    scf.if %cond3A_4 {
      "tpu.region"() ({
        %run_scoped3A = tpu.sem_alloc : memref<!tpu.dma_semaphore, #tpu.memory_space<semaphore_mem>>
        %dma_start3A = arith.constant 0 : i32
        %dma_start3A_26 = tpu.memref_slice %arg8[%mul3A_2, %dma_start3A] : memref<10240x128xf32, #tpu.memory_space<vmem_shared>> -> memref<640x128xf32, #tpu.memory_space<vmem_shared>>
        %dma_start3A_27 = arith.constant 0 : i32
        %dma_start3A_28 = tpu.memref_slice %arg3[%mul3A_2, %dma_start3A_27] : memref<10240x128xf32, #tpu.memory_space<hbm>> -> memref<640x128xf32, #tpu.memory_space<hbm>>
        tpu.enqueue_dma source(%dma_start3A_28 : memref<640x128xf32, #tpu.memory_space<hbm>>) target(%dma_start3A_26 : memref<640x128xf32, #tpu.memory_space<vmem_shared>>) target_semaphore(%run_scoped3A : memref<!tpu.dma_semaphore, #tpu.memory_space<semaphore_mem>>)
        %dma_wait3A = arith.constant 0 : i32
        %dma_wait3A_29 = tpu.memref_slice %arg8[%mul3A_2, %dma_wait3A] : memref<10240x128xf32, #tpu.memory_space<vmem_shared>> -> memref<640x128xf32, #tpu.memory_space<vmem_shared>>
        %dma_wait3A_30 = arith.constant 0 : i32
        %dma_wait3A_31 = tpu.memref_slice %arg3[%mul3A_2, %dma_wait3A_30] : memref<10240x128xf32, #tpu.memory_space<hbm>> -> memref<640x128xf32, #tpu.memory_space<hbm>>
        tpu.wait_dma2 semaphore(%run_scoped3A : memref<!tpu.dma_semaphore, #tpu.memory_space<semaphore_mem>>) src(%dma_wait3A_31 : memref<640x128xf32, #tpu.memory_space<hbm>>) dst(%dma_wait3A_29 : memref<640x128xf32, #tpu.memory_space<vmem_shared>>)
        tpu.yield
      }) : () -> ()
    } else {
    }
    %ne3A = arith.constant 0 : i32
    %ne3A_5 = arith.cmpi ne, %arg0, %ne3A : i32
    %convert_element_type3A_6 = arith.extui %ne3A_5 : i1 to i32
    %cond3A_7 = arith.constant 0 : i32
    %cond3A_8 = arith.cmpi ne, %convert_element_type3A_6, %cond3A_7 : i32
    scf.if %cond3A_8 {
      "tpu.region"() ({
        %run_scoped3A = tpu.sem_alloc : memref<!tpu.dma_semaphore, #tpu.memory_space<semaphore_mem>>
        %dma_start3A = arith.constant 0 : i32
        %dma_start3A_26 = tpu.memref_slice %arg8[%mul3A_2, %dma_start3A] : memref<10240x128xf32, #tpu.memory_space<vmem_shared>> -> memref<640x128xf32, #tpu.memory_space<vmem_shared>>
        %dma_start3A_27 = arith.constant 0 : i32
        %dma_start3A_28 = tpu.memref_slice %arg4[%mul3A_2, %dma_start3A_27] : memref<10240x128xf32, #tpu.memory_space<hbm>> -> memref<640x128xf32, #tpu.memory_space<hbm>>
        tpu.enqueue_dma source(%dma_start3A_28 : memref<640x128xf32, #tpu.memory_space<hbm>>) target(%dma_start3A_26 : memref<640x128xf32, #tpu.memory_space<vmem_shared>>) target_semaphore(%run_scoped3A : memref<!tpu.dma_semaphore, #tpu.memory_space<semaphore_mem>>)
        %dma_wait3A = arith.constant 0 : i32
        %dma_wait3A_29 = tpu.memref_slice %arg8[%mul3A_2, %dma_wait3A] : memref<10240x128xf32, #tpu.memory_space<vmem_shared>> -> memref<640x128xf32, #tpu.memory_space<vmem_shared>>
        %dma_wait3A_30 = arith.constant 0 : i32
        %dma_wait3A_31 = tpu.memref_slice %arg4[%mul3A_2, %dma_wait3A_30] : memref<10240x128xf32, #tpu.memory_space<hbm>> -> memref<640x128xf32, #tpu.memory_space<hbm>>
        tpu.wait_dma2 semaphore(%run_scoped3A : memref<!tpu.dma_semaphore, #tpu.memory_space<semaphore_mem>>) src(%dma_wait3A_31 : memref<640x128xf32, #tpu.memory_space<hbm>>) dst(%dma_wait3A_29 : memref<640x128xf32, #tpu.memory_space<vmem_shared>>)
        tpu.yield
      }) : () -> ()
    } else {
    }
    %barrier3A = arith.constant 0 : index
    tpu.barrier barrier_id(%barrier3A)
    %lt3A = arith.constant 4 : i32
    %lt3A_9 = arith.cmpi slt, %add3A, %lt3A : i32
    %jit3A = arith.constant 1 : i32
    %jit3A_10 = arith.constant 0 : i32
    %select_n3A = arith.select %lt3A_9, %jit3A, %jit3A_10 : i32
    %add3A_11 = arith.constant 78 : i32
    %add3A_12 = arith.addi %add3A_11, %select_n3A : i32
    %while3A = arith.constant 0 : i32
    %while3A_13 = arith.constant 0 : i32
    %while3A_14 = arith.subi %add3A_12, %while3A_13 : i32
    %while3A_15 = arith.addi %while3A_13, %while3A_14 : i32
    %while3A_16 = arith.constant 1 : i32
    %while3A_17 = arith.divsi %while3A_14, %while3A_16 : i32
    %while3A_18 = arith.muli %while3A_17, %while3A_16 : i32
    %while3A_19 = arith.addi %while3A_13, %while3A_18 : i32
    %while3A_20 = arith.constant 1 : i32
    scf.for %while3A_26 = %while3A_13 to %while3A_19 step %while3A_20  : i32 {
      %mul3A_27 = arith.constant 32 : i32
      %mul3A_28 = arith.muli %mul3A_27, %while3A_26 : i32
      %add3A_29 = arith.addi %add3A, %mul3A_28 : i32
      "tpu.region"() ({
        %run_scoped3A_42 = tpu.sem_alloc : memref<!tpu.dma_semaphore, #tpu.memory_space<semaphore_mem>>
        %dma_start3A_43 = arith.constant 0 : i32
        %dma_start3A_44 = arith.constant 0 : i32
        %dma_start3A_45 = tpu.memref_slice %arg2[%add3A_29, %dma_start3A_43, %dma_start3A_44] : memref<2500x2x128xi32, #tpu.memory_space<hbm>> -> memref<1x2x128xi32, #tpu.memory_space<hbm>>
        %dma_start3A_46 = tpu.memref_squeeze %dma_start3A_45 : memref<1x2x128xi32, #tpu.memory_space<hbm>> -> memref<2x128xi32, #tpu.memory_space<hbm>>
        %dma_start3A_47 = arith.constant 0 : i32
        %dma_start3A_48 = arith.constant 0 : i32
        %dma_start3A_49 = tpu.memref_slice %arg2[%add3A_29, %dma_start3A_47, %dma_start3A_48] : memref<2500x2x128xi32, #tpu.memory_space<hbm>> -> memref<1x2x128xi32, #tpu.memory_space<hbm>>
        %dma_start3A_50 = tpu.memref_squeeze %dma_start3A_49 : memref<1x2x128xi32, #tpu.memory_space<hbm>> -> memref<2x128xi32, #tpu.memory_space<hbm>>
        tpu.enqueue_dma source(%dma_start3A_50 : memref<2x128xi32, #tpu.memory_space<hbm>>) target(%arg6 : memref<2x128xi32, #tpu.memory_space<vmem>>) target_semaphore(%run_scoped3A_42 : memref<!tpu.dma_semaphore, #tpu.memory_space<semaphore_mem>>)
        %dma_wait3A_51 = arith.constant 0 : i32
        %dma_wait3A_52 = arith.constant 0 : i32
        %dma_wait3A_53 = tpu.memref_slice %arg2[%add3A_29, %dma_wait3A_51, %dma_wait3A_52] : memref<2500x2x128xi32, #tpu.memory_space<hbm>> -> memref<1x2x128xi32, #tpu.memory_space<hbm>>
        %dma_wait3A_54 = tpu.memref_squeeze %dma_wait3A_53 : memref<1x2x128xi32, #tpu.memory_space<hbm>> -> memref<2x128xi32, #tpu.memory_space<hbm>>
        %dma_wait3A_55 = arith.constant 0 : i32
        %dma_wait3A_56 = arith.constant 0 : i32
        %dma_wait3A_57 = tpu.memref_slice %arg2[%add3A_29, %dma_wait3A_55, %dma_wait3A_56] : memref<2500x2x128xi32, #tpu.memory_space<hbm>> -> memref<1x2x128xi32, #tpu.memory_space<hbm>>
        %dma_wait3A_58 = tpu.memref_squeeze %dma_wait3A_57 : memref<1x2x128xi32, #tpu.memory_space<hbm>> -> memref<2x128xi32, #tpu.memory_space<hbm>>
        tpu.wait_dma2 semaphore(%run_scoped3A_42 : memref<!tpu.dma_semaphore, #tpu.memory_space<semaphore_mem>>) src(%dma_wait3A_58 : memref<2x128xi32, #tpu.memory_space<hbm>>) dst(%arg6 : memref<2x128xi32, #tpu.memory_space<vmem>>)
        tpu.yield
      }) : () -> ()
      %dma_start3A = arith.constant 0 : i32
      %dma_start3A_30 = arith.constant 0 : i32
      %dma_start3A_31 = tpu.memref_slice %arg6[%dma_start3A, %dma_start3A_30] : memref<2x128xi32, #tpu.memory_space<vmem>> -> memref<1x128xi32, #tpu.memory_space<vmem>>
      %dma_start3A_32 = tpu.memref_squeeze %dma_start3A_31 : memref<1x128xi32, #tpu.memory_space<vmem>> -> memref<128xi32, #tpu.memory_space<vmem>>
      %dma_start3A_33 = arith.constant 0 : i32
      %dma_start3A_34 = arith.constant 0 : i32
      %dma_start3A_35 = tpu.memref_slice %arg3[%dma_start3A_33, %dma_start3A_34] : memref<10240x128xf32, #tpu.memory_space<hbm>> -> memref<10240x128xf32, #tpu.memory_space<hbm>>
      tpu.enqueue_indirect_dma source(%dma_start3A_35 : memref<10240x128xf32, #tpu.memory_space<hbm>>) target(%arg7 : memref<128x128xf32, #tpu.memory_space<vmem>>) offsets(%dma_start3A_32 : memref<128xi32, #tpu.memory_space<vmem>>) semaphore(%arg9 : memref<!tpu.dma_semaphore, #tpu.memory_space<semaphore_mem>>)
      %dma_wait3A = arith.constant 0 : i32
      %dma_wait3A_36 = arith.constant 0 : i32
      %dma_wait3A_37 = tpu.memref_slice %arg6[%dma_wait3A, %dma_wait3A_36] : memref<2x128xi32, #tpu.memory_space<vmem>> -> memref<1x128xi32, #tpu.memory_space<vmem>>
      %dma_wait3A_38 = tpu.memref_squeeze %dma_wait3A_37 : memref<1x128xi32, #tpu.memory_space<vmem>> -> memref<128xi32, #tpu.memory_space<vmem>>
      %dma_wait3A_39 = arith.constant 0 : i32
      %dma_wait3A_40 = arith.constant 0 : i32
      %dma_wait3A_41 = tpu.memref_slice %arg3[%dma_wait3A_39, %dma_wait3A_40] : memref<10240x128xf32, #tpu.memory_space<hbm>> -> memref<10240x128xf32, #tpu.memory_space<hbm>>
      tpu.wait_indirect_dma semaphore(%arg9 : memref<!tpu.dma_semaphore, #tpu.memory_space<semaphore_mem>>) src(%dma_wait3A_41 : memref<10240x128xf32, #tpu.memory_space<hbm>>) dst(%arg7 : memref<128x128xf32, #tpu.memory_space<vmem>>)
      %run_scoped3A = arith.constant 1 : i32
      "tpu.region"() ({
        %run_scoped3A_42 = tpu.sem_alloc : memref<!tpu.dma_semaphore, #tpu.memory_space<semaphore_mem>>
        %dma_start3A_43 = arith.constant 0 : i32
        %dma_start3A_44 = tpu.memref_slice %arg6[%run_scoped3A, %dma_start3A_43] : memref<2x128xi32, #tpu.memory_space<vmem>> -> memref<1x128xi32, #tpu.memory_space<vmem>>
        %dma_start3A_45 = tpu.memref_squeeze %dma_start3A_44 : memref<1x128xi32, #tpu.memory_space<vmem>> -> memref<128xi32, #tpu.memory_space<vmem>>
        %dma_start3A_46 = arith.constant 0 : i32
        %dma_start3A_47 = arith.constant 0 : i32
        %dma_start3A_48 = tpu.memref_slice %arg8[%dma_start3A_46, %dma_start3A_47] : memref<10240x128xf32, #tpu.memory_space<vmem_shared>> -> memref<10240x128xf32, #tpu.memory_space<vmem_shared>>
        tpu.enqueue_indirect_dma source(%arg7 : memref<128x128xf32, #tpu.memory_space<vmem>>) target(%dma_start3A_48 : memref<10240x128xf32, #tpu.memory_space<vmem_shared>>) offsets(%dma_start3A_45 : memref<128xi32, #tpu.memory_space<vmem>>) semaphore(%run_scoped3A_42 : memref<!tpu.dma_semaphore, #tpu.memory_space<semaphore_mem>>) {add = true}
        %dma_wait3A_49 = arith.constant 0 : i32
        %dma_wait3A_50 = tpu.memref_slice %arg6[%run_scoped3A, %dma_wait3A_49] : memref<2x128xi32, #tpu.memory_space<vmem>> -> memref<1x128xi32, #tpu.memory_space<vmem>>
        %dma_wait3A_51 = tpu.memref_squeeze %dma_wait3A_50 : memref<1x128xi32, #tpu.memory_space<vmem>> -> memref<128xi32, #tpu.memory_space<vmem>>
        %dma_wait3A_52 = arith.constant 0 : i32
        %dma_wait3A_53 = arith.constant 0 : i32
        %dma_wait3A_54 = tpu.memref_slice %arg8[%dma_wait3A_52, %dma_wait3A_53] : memref<10240x128xf32, #tpu.memory_space<vmem_shared>> -> memref<10240x128xf32, #tpu.memory_space<vmem_shared>>
        tpu.wait_indirect_dma semaphore(%run_scoped3A_42 : memref<!tpu.dma_semaphore, #tpu.memory_space<semaphore_mem>>) src(%arg7 : memref<128x128xf32, #tpu.memory_space<vmem>>) dst(%dma_wait3A_54 : memref<10240x128xf32, #tpu.memory_space<vmem_shared>>)
        tpu.yield
      }) : () -> ()
    }
    %while3A_21 = arith.constant 1 : i32
    scf.for %while3A_26 = %while3A_19 to %while3A_15 step %while3A_21  : i32 {
      %mul3A_27 = arith.constant 32 : i32
      %mul3A_28 = arith.muli %mul3A_27, %while3A_26 : i32
      %add3A_29 = arith.addi %add3A, %mul3A_28 : i32
      "tpu.region"() ({
        %run_scoped3A_42 = tpu.sem_alloc : memref<!tpu.dma_semaphore, #tpu.memory_space<semaphore_mem>>
        %dma_start3A_43 = arith.constant 0 : i32
        %dma_start3A_44 = arith.constant 0 : i32
        %dma_start3A_45 = tpu.memref_slice %arg2[%add3A_29, %dma_start3A_43, %dma_start3A_44] : memref<2500x2x128xi32, #tpu.memory_space<hbm>> -> memref<1x2x128xi32, #tpu.memory_space<hbm>>
        %dma_start3A_46 = tpu.memref_squeeze %dma_start3A_45 : memref<1x2x128xi32, #tpu.memory_space<hbm>> -> memref<2x128xi32, #tpu.memory_space<hbm>>
        %dma_start3A_47 = arith.constant 0 : i32
        %dma_start3A_48 = arith.constant 0 : i32
        %dma_start3A_49 = tpu.memref_slice %arg2[%add3A_29, %dma_start3A_47, %dma_start3A_48] : memref<2500x2x128xi32, #tpu.memory_space<hbm>> -> memref<1x2x128xi32, #tpu.memory_space<hbm>>
        %dma_start3A_50 = tpu.memref_squeeze %dma_start3A_49 : memref<1x2x128xi32, #tpu.memory_space<hbm>> -> memref<2x128xi32, #tpu.memory_space<hbm>>
        tpu.enqueue_dma source(%dma_start3A_50 : memref<2x128xi32, #tpu.memory_space<hbm>>) target(%arg6 : memref<2x128xi32, #tpu.memory_space<vmem>>) target_semaphore(%run_scoped3A_42 : memref<!tpu.dma_semaphore, #tpu.memory_space<semaphore_mem>>)
        %dma_wait3A_51 = arith.constant 0 : i32
        %dma_wait3A_52 = arith.constant 0 : i32
        %dma_wait3A_53 = tpu.memref_slice %arg2[%add3A_29, %dma_wait3A_51, %dma_wait3A_52] : memref<2500x2x128xi32, #tpu.memory_space<hbm>> -> memref<1x2x128xi32, #tpu.memory_space<hbm>>
        %dma_wait3A_54 = tpu.memref_squeeze %dma_wait3A_53 : memref<1x2x128xi32, #tpu.memory_space<hbm>> -> memref<2x128xi32, #tpu.memory_space<hbm>>
        %dma_wait3A_55 = arith.constant 0 : i32
        %dma_wait3A_56 = arith.constant 0 : i32
        %dma_wait3A_57 = tpu.memref_slice %arg2[%add3A_29, %dma_wait3A_55, %dma_wait3A_56] : memref<2500x2x128xi32, #tpu.memory_space<hbm>> -> memref<1x2x128xi32, #tpu.memory_space<hbm>>
        %dma_wait3A_58 = tpu.memref_squeeze %dma_wait3A_57 : memref<1x2x128xi32, #tpu.memory_space<hbm>> -> memref<2x128xi32, #tpu.memory_space<hbm>>
        tpu.wait_dma2 semaphore(%run_scoped3A_42 : memref<!tpu.dma_semaphore, #tpu.memory_space<semaphore_mem>>) src(%dma_wait3A_58 : memref<2x128xi32, #tpu.memory_space<hbm>>) dst(%arg6 : memref<2x128xi32, #tpu.memory_space<vmem>>)
        tpu.yield
      }) : () -> ()
      %dma_start3A = arith.constant 0 : i32
      %dma_start3A_30 = arith.constant 0 : i32
      %dma_start3A_31 = tpu.memref_slice %arg6[%dma_start3A, %dma_start3A_30] : memref<2x128xi32, #tpu.memory_space<vmem>> -> memref<1x128xi32, #tpu.memory_space<vmem>>
      %dma_start3A_32 = tpu.memref_squeeze %dma_start3A_31 : memref<1x128xi32, #tpu.memory_space<vmem>> -> memref<128xi32, #tpu.memory_space<vmem>>
      %dma_start3A_33 = arith.constant 0 : i32
      %dma_start3A_34 = arith.constant 0 : i32
      %dma_start3A_35 = tpu.memref_slice %arg3[%dma_start3A_33, %dma_start3A_34] : memref<10240x128xf32, #tpu.memory_space<hbm>> -> memref<10240x128xf32, #tpu.memory_space<hbm>>
      tpu.enqueue_indirect_dma source(%dma_start3A_35 : memref<10240x128xf32, #tpu.memory_space<hbm>>) target(%arg7 : memref<128x128xf32, #tpu.memory_space<vmem>>) offsets(%dma_start3A_32 : memref<128xi32, #tpu.memory_space<vmem>>) semaphore(%arg9 : memref<!tpu.dma_semaphore, #tpu.memory_space<semaphore_mem>>)
      %dma_wait3A = arith.constant 0 : i32
      %dma_wait3A_36 = arith.constant 0 : i32
      %dma_wait3A_37 = tpu.memref_slice %arg6[%dma_wait3A, %dma_wait3A_36] : memref<2x128xi32, #tpu.memory_space<vmem>> -> memref<1x128xi32, #tpu.memory_space<vmem>>
      %dma_wait3A_38 = tpu.memref_squeeze %dma_wait3A_37 : memref<1x128xi32, #tpu.memory_space<vmem>> -> memref<128xi32, #tpu.memory_space<vmem>>
      %dma_wait3A_39 = arith.constant 0 : i32
      %dma_wait3A_40 = arith.constant 0 : i32
      %dma_wait3A_41 = tpu.memref_slice %arg3[%dma_wait3A_39, %dma_wait3A_40] : memref<10240x128xf32, #tpu.memory_space<hbm>> -> memref<10240x128xf32, #tpu.memory_space<hbm>>
      tpu.wait_indirect_dma semaphore(%arg9 : memref<!tpu.dma_semaphore, #tpu.memory_space<semaphore_mem>>) src(%dma_wait3A_41 : memref<10240x128xf32, #tpu.memory_space<hbm>>) dst(%arg7 : memref<128x128xf32, #tpu.memory_space<vmem>>)
      %run_scoped3A = arith.constant 1 : i32
      "tpu.region"() ({
        %run_scoped3A_42 = tpu.sem_alloc : memref<!tpu.dma_semaphore, #tpu.memory_space<semaphore_mem>>
        %dma_start3A_43 = arith.constant 0 : i32
        %dma_start3A_44 = tpu.memref_slice %arg6[%run_scoped3A, %dma_start3A_43] : memref<2x128xi32, #tpu.memory_space<vmem>> -> memref<1x128xi32, #tpu.memory_space<vmem>>
        %dma_start3A_45 = tpu.memref_squeeze %dma_start3A_44 : memref<1x128xi32, #tpu.memory_space<vmem>> -> memref<128xi32, #tpu.memory_space<vmem>>
        %dma_start3A_46 = arith.constant 0 : i32
        %dma_start3A_47 = arith.constant 0 : i32
        %dma_start3A_48 = tpu.memref_slice %arg8[%dma_start3A_46, %dma_start3A_47] : memref<10240x128xf32, #tpu.memory_space<vmem_shared>> -> memref<10240x128xf32, #tpu.memory_space<vmem_shared>>
        tpu.enqueue_indirect_dma source(%arg7 : memref<128x128xf32, #tpu.memory_space<vmem>>) target(%dma_start3A_48 : memref<10240x128xf32, #tpu.memory_space<vmem_shared>>) offsets(%dma_start3A_45 : memref<128xi32, #tpu.memory_space<vmem>>) semaphore(%run_scoped3A_42 : memref<!tpu.dma_semaphore, #tpu.memory_space<semaphore_mem>>) {add = true}
        %dma_wait3A_49 = arith.constant 0 : i32
        %dma_wait3A_50 = tpu.memref_slice %arg6[%run_scoped3A, %dma_wait3A_49] : memref<2x128xi32, #tpu.memory_space<vmem>> -> memref<1x128xi32, #tpu.memory_space<vmem>>
        %dma_wait3A_51 = tpu.memref_squeeze %dma_wait3A_50 : memref<1x128xi32, #tpu.memory_space<vmem>> -> memref<128xi32, #tpu.memory_space<vmem>>
        %dma_wait3A_52 = arith.constant 0 : i32
        %dma_wait3A_53 = arith.constant 0 : i32
        %dma_wait3A_54 = tpu.memref_slice %arg8[%dma_wait3A_52, %dma_wait3A_53] : memref<10240x128xf32, #tpu.memory_space<vmem_shared>> -> memref<10240x128xf32, #tpu.memory_space<vmem_shared>>
        tpu.wait_indirect_dma semaphore(%run_scoped3A_42 : memref<!tpu.dma_semaphore, #tpu.memory_space<semaphore_mem>>) src(%arg7 : memref<128x128xf32, #tpu.memory_space<vmem>>) dst(%dma_wait3A_54 : memref<10240x128xf32, #tpu.memory_space<vmem_shared>>)
        tpu.yield
      }) : () -> ()
    }
    %barrier3A_22 = arith.constant 0 : index
    tpu.barrier barrier_id(%barrier3A_22)
    %mul3A_23 = arith.constant 10240 : i32
    %mul3A_24 = arith.muli %arg0, %mul3A_23 : i32
    %add3A_25 = arith.addi %mul3A_24, %mul3A_2 : i32
    "tpu.region"() ({
      %run_scoped3A = tpu.sem_alloc : memref<!tpu.dma_semaphore, #tpu.memory_space<semaphore_mem>>
      %dma_start3A = arith.constant 0 : i32
      %dma_start3A_26 = tpu.memref_slice %arg5[%add3A_25, %dma_start3A] : memref<20480x128xf32, #tpu.memory_space<hbm>> -> memref<640x128xf32, #tpu.memory_space<hbm>>
      %dma_start3A_27 = arith.constant 0 : i32
      %dma_start3A_28 = tpu.memref_slice %arg8[%mul3A_2, %dma_start3A_27] : memref<10240x128xf32, #tpu.memory_space<vmem_shared>> -> memref<640x128xf32, #tpu.memory_space<vmem_shared>>
      tpu.enqueue_dma source(%dma_start3A_28 : memref<640x128xf32, #tpu.memory_space<vmem_shared>>) target(%dma_start3A_26 : memref<640x128xf32, #tpu.memory_space<hbm>>) target_semaphore(%run_scoped3A : memref<!tpu.dma_semaphore, #tpu.memory_space<semaphore_mem>>)
      %dma_wait3A = arith.constant 0 : i32
      %dma_wait3A_29 = tpu.memref_slice %arg5[%add3A_25, %dma_wait3A] : memref<20480x128xf32, #tpu.memory_space<hbm>> -> memref<640x128xf32, #tpu.memory_space<hbm>>
      %dma_wait3A_30 = arith.constant 0 : i32
      %dma_wait3A_31 = tpu.memref_slice %arg8[%mul3A_2, %dma_wait3A_30] : memref<10240x128xf32, #tpu.memory_space<vmem_shared>> -> memref<640x128xf32, #tpu.memory_space<vmem_shared>>
      tpu.wait_dma2 semaphore(%run_scoped3A : memref<!tpu.dma_semaphore, #tpu.memory_space<semaphore_mem>>) src(%dma_wait3A_31 : memref<640x128xf32, #tpu.memory_space<vmem_shared>>) dst(%dma_wait3A_29 : memref<640x128xf32, #tpu.memory_space<hbm>>)
      tpu.yield
    }) : () -> ()
    return
  }
}

#map = affine_map<(d0, d1) -> (0, 0, 0)>
#map1 = affine_map<(d0, d1) -> (0)>
module attributes {stable_mosaic.version = 14 : i64} {
  func.func @body(%arg0: i32, %arg1: i32, %arg2: memref<32x80x128xi32, #tpu.memory_space<hbm>>, %arg3: memref<10240xf32, #tpu.memory_space<hbm>>, %arg4: memref<20480xf32, #tpu.memory_space<hbm>>, %arg5: memref<80x128xi32, #tpu.memory_space<vmem>>, %arg6: memref<128xf32, #tpu.memory_space<vmem>>, %arg7: memref<10240xf32, #tpu.memory_space<vmem_shared>>, %arg8: memref<!tpu.dma_semaphore, #tpu.memory_space<semaphore_mem>>) attributes {dimension_semantics = [#tpu.dimension_semantics<core_parallel>, #tpu.dimension_semantics<subcore_parallel>], iteration_bounds = array<i64: 2, 16>, scalar_prefetch = 0 : i64, scratch_operands = 4 : i64, tpu.core_type = #tpu.core_type<sc_vector_subcore>, window_params = [{transform_indices = #map}, {transform_indices = #map1}, {transform_indices = #map1}]} {
    %mul3A = arith.constant 2 : i32
    %mul3A_0 = arith.muli %arg1, %mul3A : i32
    %add3A = arith.addi %mul3A_0, %arg0 : i32
    %mul3A_1 = arith.constant 640 : i32
    %mul3A_2 = arith.muli %arg1, %mul3A_1 : i32
    %broadcast_in_dim3A = arith.constant 1.000000e+00 : f32
    %broadcast_in_dim3A_3 = vector.broadcast %broadcast_in_dim3A : f32 to vector<16xf32>
    %swap3A = arith.constant 0 : index
    %swap3A_4 = tpu.vector_load %arg6[%swap3A] {strides = array<i32>} : memref<128xf32, #tpu.memory_space<vmem>>, vector<16xf32>,
    %swap3A_5 = vector.shape_cast %swap3A_4 : vector<16xf32> to vector<16xf32>
    %swap3A_6 = vector.shape_cast %broadcast_in_dim3A_3 : vector<16xf32> to vector<16xf32>
    tpu.vector_store %arg6[%swap3A], %swap3A_6 {strides = array<i32>} : memref<128xf32, #tpu.memory_space<vmem>>, vector<16xf32>,
    %broadcast_in_dim3A_7 = arith.constant 1.000000e+00 : f32
    %broadcast_in_dim3A_8 = vector.broadcast %broadcast_in_dim3A_7 : f32 to vector<16xf32>
    %swap3A_9 = arith.constant 16 : index
    %swap3A_10 = tpu.vector_load %arg6[%swap3A_9] {strides = array<i32>} : memref<128xf32, #tpu.memory_space<vmem>>, vector<16xf32>,
    %swap3A_11 = vector.shape_cast %swap3A_10 : vector<16xf32> to vector<16xf32>
    %swap3A_12 = vector.shape_cast %broadcast_in_dim3A_8 : vector<16xf32> to vector<16xf32>
    tpu.vector_store %arg6[%swap3A_9], %swap3A_12 {strides = array<i32>} : memref<128xf32, #tpu.memory_space<vmem>>, vector<16xf32>,
    %broadcast_in_dim3A_13 = arith.constant 1.000000e+00 : f32
    %broadcast_in_dim3A_14 = vector.broadcast %broadcast_in_dim3A_13 : f32 to vector<16xf32>
    %swap3A_15 = arith.constant 32 : index
    %swap3A_16 = tpu.vector_load %arg6[%swap3A_15] {strides = array<i32>} : memref<128xf32, #tpu.memory_space<vmem>>, vector<16xf32>,
    %swap3A_17 = vector.shape_cast %swap3A_16 : vector<16xf32> to vector<16xf32>
    %swap3A_18 = vector.shape_cast %broadcast_in_dim3A_14 : vector<16xf32> to vector<16xf32>
    tpu.vector_store %arg6[%swap3A_15], %swap3A_18 {strides = array<i32>} : memref<128xf32, #tpu.memory_space<vmem>>, vector<16xf32>,
    %broadcast_in_dim3A_19 = arith.constant 1.000000e+00 : f32
    %broadcast_in_dim3A_20 = vector.broadcast %broadcast_in_dim3A_19 : f32 to vector<16xf32>
    %swap3A_21 = arith.constant 48 : index
    %swap3A_22 = tpu.vector_load %arg6[%swap3A_21] {strides = array<i32>} : memref<128xf32, #tpu.memory_space<vmem>>, vector<16xf32>,
    %swap3A_23 = vector.shape_cast %swap3A_22 : vector<16xf32> to vector<16xf32>
    %swap3A_24 = vector.shape_cast %broadcast_in_dim3A_20 : vector<16xf32> to vector<16xf32>
    tpu.vector_store %arg6[%swap3A_21], %swap3A_24 {strides = array<i32>} : memref<128xf32, #tpu.memory_space<vmem>>, vector<16xf32>,
    %broadcast_in_dim3A_25 = arith.constant 1.000000e+00 : f32
    %broadcast_in_dim3A_26 = vector.broadcast %broadcast_in_dim3A_25 : f32 to vector<16xf32>
    %swap3A_27 = arith.constant 64 : index
    %swap3A_28 = tpu.vector_load %arg6[%swap3A_27] {strides = array<i32>} : memref<128xf32, #tpu.memory_space<vmem>>, vector<16xf32>,
    %swap3A_29 = vector.shape_cast %swap3A_28 : vector<16xf32> to vector<16xf32>
    %swap3A_30 = vector.shape_cast %broadcast_in_dim3A_26 : vector<16xf32> to vector<16xf32>
    tpu.vector_store %arg6[%swap3A_27], %swap3A_30 {strides = array<i32>} : memref<128xf32, #tpu.memory_space<vmem>>, vector<16xf32>,
    %broadcast_in_dim3A_31 = arith.constant 1.000000e+00 : f32
    %broadcast_in_dim3A_32 = vector.broadcast %broadcast_in_dim3A_31 : f32 to vector<16xf32>
    %swap3A_33 = arith.constant 80 : index
    %swap3A_34 = tpu.vector_load %arg6[%swap3A_33] {strides = array<i32>} : memref<128xf32, #tpu.memory_space<vmem>>, vector<16xf32>,
    %swap3A_35 = vector.shape_cast %swap3A_34 : vector<16xf32> to vector<16xf32>
    %swap3A_36 = vector.shape_cast %broadcast_in_dim3A_32 : vector<16xf32> to vector<16xf32>
    tpu.vector_store %arg6[%swap3A_33], %swap3A_36 {strides = array<i32>} : memref<128xf32, #tpu.memory_space<vmem>>, vector<16xf32>,
    %broadcast_in_dim3A_37 = arith.constant 1.000000e+00 : f32
    %broadcast_in_dim3A_38 = vector.broadcast %broadcast_in_dim3A_37 : f32 to vector<16xf32>
    %swap3A_39 = arith.constant 96 : index
    %swap3A_40 = tpu.vector_load %arg6[%swap3A_39] {strides = array<i32>} : memref<128xf32, #tpu.memory_space<vmem>>, vector<16xf32>,
    %swap3A_41 = vector.shape_cast %swap3A_40 : vector<16xf32> to vector<16xf32>
    %swap3A_42 = vector.shape_cast %broadcast_in_dim3A_38 : vector<16xf32> to vector<16xf32>
    tpu.vector_store %arg6[%swap3A_39], %swap3A_42 {strides = array<i32>} : memref<128xf32, #tpu.memory_space<vmem>>, vector<16xf32>,
    %broadcast_in_dim3A_43 = arith.constant 1.000000e+00 : f32
    %broadcast_in_dim3A_44 = vector.broadcast %broadcast_in_dim3A_43 : f32 to vector<16xf32>
    %swap3A_45 = arith.constant 112 : index
    %swap3A_46 = tpu.vector_load %arg6[%swap3A_45] {strides = array<i32>} : memref<128xf32, #tpu.memory_space<vmem>>, vector<16xf32>,
    %swap3A_47 = vector.shape_cast %swap3A_46 : vector<16xf32> to vector<16xf32>
    %swap3A_48 = vector.shape_cast %broadcast_in_dim3A_44 : vector<16xf32> to vector<16xf32>
    tpu.vector_store %arg6[%swap3A_45], %swap3A_48 {strides = array<i32>} : memref<128xf32, #tpu.memory_space<vmem>>, vector<16xf32>,
    "tpu.region"() ({
      %run_scoped3A = tpu.sem_alloc : memref<!tpu.dma_semaphore, #tpu.memory_space<semaphore_mem>>
      %dma_start3A = tpu.memref_slice %arg7[%mul3A_2] : memref<10240xf32, #tpu.memory_space<vmem_shared>> -> memref<640xf32, #tpu.memory_space<vmem_shared>>
      %dma_start3A_65 = tpu.memref_slice %arg3[%mul3A_2] : memref<10240xf32, #tpu.memory_space<hbm>> -> memref<640xf32, #tpu.memory_space<hbm>>
      tpu.enqueue_dma source(%dma_start3A_65 : memref<640xf32, #tpu.memory_space<hbm>>) target(%dma_start3A : memref<640xf32, #tpu.memory_space<vmem_shared>>) target_semaphore(%run_scoped3A : memref<!tpu.dma_semaphore, #tpu.memory_space<semaphore_mem>>)
      %dma_wait3A_66 = tpu.memref_slice %arg7[%mul3A_2] : memref<10240xf32, #tpu.memory_space<vmem_shared>> -> memref<640xf32, #tpu.memory_space<vmem_shared>>
      %dma_wait3A_67 = tpu.memref_slice %arg3[%mul3A_2] : memref<10240xf32, #tpu.memory_space<hbm>> -> memref<640xf32, #tpu.memory_space<hbm>>
      tpu.wait_dma2 semaphore(%run_scoped3A : memref<!tpu.dma_semaphore, #tpu.memory_space<semaphore_mem>>) src(%dma_wait3A_67 : memref<640xf32, #tpu.memory_space<hbm>>) dst(%dma_wait3A_66 : memref<640xf32, #tpu.memory_space<vmem_shared>>)
      tpu.yield
    }) : () -> ()
    "tpu.region"() ({
      %run_scoped3A = tpu.sem_alloc : memref<!tpu.dma_semaphore, #tpu.memory_space<semaphore_mem>>
      %dma_start3A = arith.constant 0 : i32
      %dma_start3A_65 = arith.constant 0 : i32
      %dma_start3A_66 = tpu.memref_slice %arg2[%add3A, %dma_start3A, %dma_start3A_65] : memref<32x80x128xi32, #tpu.memory_space<hbm>> -> memref<1x80x128xi32, #tpu.memory_space<hbm>>
      %dma_start3A_67 = tpu.memref_squeeze %dma_start3A_66 : memref<1x80x128xi32, #tpu.memory_space<hbm>> -> memref<80x128xi32, #tpu.memory_space<hbm>>
      %dma_start3A_68 = arith.constant 0 : i32
      %dma_start3A_69 = arith.constant 0 : i32
      %dma_start3A_70 = tpu.memref_slice %arg2[%add3A, %dma_start3A_68, %dma_start3A_69] : memref<32x80x128xi32, #tpu.memory_space<hbm>> -> memref<1x80x128xi32, #tpu.memory_space<hbm>>
      %dma_start3A_71 = tpu.memref_squeeze %dma_start3A_70 : memref<1x80x128xi32, #tpu.memory_space<hbm>> -> memref<80x128xi32, #tpu.memory_space<hbm>>
      tpu.enqueue_dma source(%dma_start3A_71 : memref<80x128xi32, #tpu.memory_space<hbm>>) target(%arg5 : memref<80x128xi32, #tpu.memory_space<vmem>>) target_semaphore(%run_scoped3A : memref<!tpu.dma_semaphore, #tpu.memory_space<semaphore_mem>>)
      %dma_wait3A_72 = arith.constant 0 : i32
      %dma_wait3A_73 = arith.constant 0 : i32
      %dma_wait3A_74 = tpu.memref_slice %arg2[%add3A, %dma_wait3A_72, %dma_wait3A_73] : memref<32x80x128xi32, #tpu.memory_space<hbm>> -> memref<1x80x128xi32, #tpu.memory_space<hbm>>
      %dma_wait3A_75 = tpu.memref_squeeze %dma_wait3A_74 : memref<1x80x128xi32, #tpu.memory_space<hbm>> -> memref<80x128xi32, #tpu.memory_space<hbm>>
      %dma_wait3A_76 = arith.constant 0 : i32
      %dma_wait3A_77 = arith.constant 0 : i32
      %dma_wait3A_78 = tpu.memref_slice %arg2[%add3A, %dma_wait3A_76, %dma_wait3A_77] : memref<32x80x128xi32, #tpu.memory_space<hbm>> -> memref<1x80x128xi32, #tpu.memory_space<hbm>>
      %dma_wait3A_79 = tpu.memref_squeeze %dma_wait3A_78 : memref<1x80x128xi32, #tpu.memory_space<hbm>> -> memref<80x128xi32, #tpu.memory_space<hbm>>
      tpu.wait_dma2 semaphore(%run_scoped3A : memref<!tpu.dma_semaphore, #tpu.memory_space<semaphore_mem>>) src(%dma_wait3A_79 : memref<80x128xi32, #tpu.memory_space<hbm>>) dst(%arg5 : memref<80x128xi32, #tpu.memory_space<vmem>>)
      tpu.yield
    }) : () -> ()
    %barrier3A = arith.constant 0 : index
    tpu.barrier barrier_id(%barrier3A)
    %scan3A = arith.constant 0 : i32
    %scan3A_49 = arith.constant 0 : i32
    %scan3A_50 = arith.constant 80 : i32
    %scan3A_51 = arith.addi %scan3A_49, %scan3A_50 : i32
    %scan3A_52 = arith.constant 1 : i32
    scf.for %scan3A_65 = %scan3A_49 to %scan3A_51 step %scan3A_52  : i32 {
      %dma_start3A = arith.constant 0 : i32
      %dma_start3A_66 = tpu.memref_slice %arg5[%scan3A_65, %dma_start3A] : memref<80x128xi32, #tpu.memory_space<vmem>> -> memref<1x128xi32, #tpu.memory_space<vmem>>
      %dma_start3A_67 = tpu.memref_squeeze %dma_start3A_66 : memref<1x128xi32, #tpu.memory_space<vmem>> -> memref<128xi32, #tpu.memory_space<vmem>>
      %dma_start3A_68 = arith.constant 0 : i32
      %dma_start3A_69 = tpu.memref_slice %arg7[%dma_start3A_68] : memref<10240xf32, #tpu.memory_space<vmem_shared>> -> memref<10240xf32, #tpu.memory_space<vmem_shared>>
      tpu.enqueue_indirect_dma source(%arg6 : memref<128xf32, #tpu.memory_space<vmem>>) target(%dma_start3A_69 : memref<10240xf32, #tpu.memory_space<vmem_shared>>) offsets(%dma_start3A_67 : memref<128xi32, #tpu.memory_space<vmem>>) semaphore(%arg8 : memref<!tpu.dma_semaphore, #tpu.memory_space<semaphore_mem>>) {add = true}
    }
    %scan3A_53 = arith.constant 80 : i32
    %dma_wait3A = arith.constant 0 : i32
    %dma_wait3A_54 = arith.constant 0 : i32
    %dma_wait3A_55 = tpu.memref_slice %arg2[%add3A, %dma_wait3A, %dma_wait3A_54] : memref<32x80x128xi32, #tpu.memory_space<hbm>> -> memref<1x80x128xi32, #tpu.memory_space<hbm>>
    %dma_wait3A_56 = tpu.memref_squeeze %dma_wait3A_55 : memref<1x80x128xi32, #tpu.memory_space<hbm>> -> memref<80x128xi32, #tpu.memory_space<hbm>>
    %dma_wait3A_57 = arith.constant 0 : i32
    %dma_wait3A_58 = arith.constant 0 : i32
    %dma_wait3A_59 = tpu.memref_slice %arg2[%add3A, %dma_wait3A_57, %dma_wait3A_58] : memref<32x80x128xi32, #tpu.memory_space<hbm>> -> memref<1x80x128xi32, #tpu.memory_space<hbm>>
    %dma_wait3A_60 = tpu.memref_squeeze %dma_wait3A_59 : memref<1x80x128xi32, #tpu.memory_space<hbm>> -> memref<80x128xi32, #tpu.memory_space<hbm>>
    tpu.wait_dma2 semaphore(%arg8 : memref<!tpu.dma_semaphore, #tpu.memory_space<semaphore_mem>>) src(%dma_wait3A_60 : memref<80x128xi32, #tpu.memory_space<hbm>>) dst(%arg5 : memref<80x128xi32, #tpu.memory_space<vmem>>)
    %barrier3A_61 = arith.constant 0 : index
    tpu.barrier barrier_id(%barrier3A_61)
    %mul3A_62 = arith.constant 10240 : i32
    %mul3A_63 = arith.muli %arg0, %mul3A_62 : i32
    %add3A_64 = arith.addi %mul3A_63, %mul3A_2 : i32
    "tpu.region"() ({
      %run_scoped3A = tpu.sem_alloc : memref<!tpu.dma_semaphore, #tpu.memory_space<semaphore_mem>>
      %dma_start3A = tpu.memref_slice %arg4[%add3A_64] : memref<20480xf32, #tpu.memory_space<hbm>> -> memref<640xf32, #tpu.memory_space<hbm>>
      %dma_start3A_65 = tpu.memref_slice %arg7[%mul3A_2] : memref<10240xf32, #tpu.memory_space<vmem_shared>> -> memref<640xf32, #tpu.memory_space<vmem_shared>>
      tpu.enqueue_dma source(%dma_start3A_65 : memref<640xf32, #tpu.memory_space<vmem_shared>>) target(%dma_start3A : memref<640xf32, #tpu.memory_space<hbm>>) target_semaphore(%run_scoped3A : memref<!tpu.dma_semaphore, #tpu.memory_space<semaphore_mem>>)
      %dma_wait3A_66 = tpu.memref_slice %arg4[%add3A_64] : memref<20480xf32, #tpu.memory_space<hbm>> -> memref<640xf32, #tpu.memory_space<hbm>>
      %dma_wait3A_67 = tpu.memref_slice %arg7[%mul3A_2] : memref<10240xf32, #tpu.memory_space<vmem_shared>> -> memref<640xf32, #tpu.memory_space<vmem_shared>>
      tpu.wait_dma2 semaphore(%run_scoped3A : memref<!tpu.dma_semaphore, #tpu.memory_space<semaphore_mem>>) src(%dma_wait3A_67 : memref<640xf32, #tpu.memory_space<vmem_shared>>) dst(%dma_wait3A_66 : memref<640xf32, #tpu.memory_space<hbm>>)
      tpu.yield
    }) : () -> ()
    return
  }
}

#map = affine_map<(d0, d1) -> (0, 0, 0)>
#map1 = affine_map<(d0, d1) -> (0, 0)>
module attributes {stable_mosaic.version = 14 : i64} {
  func.func @body(%arg0: i32, %arg1: i32, %arg2: memref<2500x2x128xi32, #tpu.memory_space<hbm>>, %arg3: memref<10240x128xf32, #tpu.memory_space<hbm>>, %arg4: memref<10240x128xf32, #tpu.memory_space<hbm>>, %arg5: memref<20480x128xf32, #tpu.memory_space<hbm>>, %arg6: memref<2x128xi32, #tpu.memory_space<vmem>>, %arg7: memref<128x128xf32, #tpu.memory_space<vmem>>, %arg8: memref<10240x128xf32, #tpu.memory_space<vmem_shared>>, %arg9: memref<!tpu.dma_semaphore, #tpu.memory_space<semaphore_mem>>) attributes {dimension_semantics = [#tpu.dimension_semantics<core_parallel>, #tpu.dimension_semantics<subcore_parallel>], iteration_bounds = array<i64: 2, 16>, scalar_prefetch = 0 : i64, scratch_operands = 4 : i64, tpu.core_type = #tpu.core_type<sc_vector_subcore>, window_params = [{transform_indices = #map}, {transform_indices = #map1}, {transform_indices = #map1}, {transform_indices = #map1}]} {
    %mul3A = arith.constant 2 : i32
    %mul3A_0 = arith.muli %arg1, %mul3A : i32
    %add3A = arith.addi %mul3A_0, %arg0 : i32
    %mul3A_1 = arith.constant 640 : i32
    %mul3A_2 = arith.muli %arg1, %mul3A_1 : i32
    %eq3A = arith.constant 0 : i32
    %eq3A_3 = arith.cmpi eq, %arg0, %eq3A : i32
    %convert_element_type3A = arith.extui %eq3A_3 : i1 to i32
    %cond3A = arith.constant 0 : i32
    %cond3A_4 = arith.cmpi ne, %convert_element_type3A, %cond3A : i32
    scf.if %cond3A_4 {
      "tpu.region"() ({
        %run_scoped3A = tpu.sem_alloc : memref<!tpu.dma_semaphore, #tpu.memory_space<semaphore_mem>>
        %dma_start3A = arith.constant 0 : i32
        %dma_start3A_26 = tpu.memref_slice %arg8[%mul3A_2, %dma_start3A] : memref<10240x128xf32, #tpu.memory_space<vmem_shared>> -> memref<640x128xf32, #tpu.memory_space<vmem_shared>>
        %dma_start3A_27 = arith.constant 0 : i32
        %dma_start3A_28 = tpu.memref_slice %arg3[%mul3A_2, %dma_start3A_27] : memref<10240x128xf32, #tpu.memory_space<hbm>> -> memref<640x128xf32, #tpu.memory_space<hbm>>
        tpu.enqueue_dma source(%dma_start3A_28 : memref<640x128xf32, #tpu.memory_space<hbm>>) target(%dma_start3A_26 : memref<640x128xf32, #tpu.memory_space<vmem_shared>>) target_semaphore(%run_scoped3A : memref<!tpu.dma_semaphore, #tpu.memory_space<semaphore_mem>>)
        %dma_wait3A = arith.constant 0 : i32
        %dma_wait3A_29 = tpu.memref_slice %arg8[%mul3A_2, %dma_wait3A] : memref<10240x128xf32, #tpu.memory_space<vmem_shared>> -> memref<640x128xf32, #tpu.memory_space<vmem_shared>>
        %dma_wait3A_30 = arith.constant 0 : i32
        %dma_wait3A_31 = tpu.memref_slice %arg3[%mul3A_2, %dma_wait3A_30] : memref<10240x128xf32, #tpu.memory_space<hbm>> -> memref<640x128xf32, #tpu.memory_space<hbm>>
        tpu.wait_dma2 semaphore(%run_scoped3A : memref<!tpu.dma_semaphore, #tpu.memory_space<semaphore_mem>>) src(%dma_wait3A_31 : memref<640x128xf32, #tpu.memory_space<hbm>>) dst(%dma_wait3A_29 : memref<640x128xf32, #tpu.memory_space<vmem_shared>>)
        tpu.yield
      }) : () -> ()
    } else {
    }
    %ne3A = arith.constant 0 : i32
    %ne3A_5 = arith.cmpi ne, %arg0, %ne3A : i32
    %convert_element_type3A_6 = arith.extui %ne3A_5 : i1 to i32
    %cond3A_7 = arith.constant 0 : i32
    %cond3A_8 = arith.cmpi ne, %convert_element_type3A_6, %cond3A_7 : i32
    scf.if %cond3A_8 {
      "tpu.region"() ({
        %run_scoped3A = tpu.sem_alloc : memref<!tpu.dma_semaphore, #tpu.memory_space<semaphore_mem>>
        %dma_start3A = arith.constant 0 : i32
        %dma_start3A_26 = tpu.memref_slice %arg8[%mul3A_2, %dma_start3A] : memref<10240x128xf32, #tpu.memory_space<vmem_shared>> -> memref<640x128xf32, #tpu.memory_space<vmem_shared>>
        %dma_start3A_27 = arith.constant 0 : i32
        %dma_start3A_28 = tpu.memref_slice %arg4[%mul3A_2, %dma_start3A_27] : memref<10240x128xf32, #tpu.memory_space<hbm>> -> memref<640x128xf32, #tpu.memory_space<hbm>>
        tpu.enqueue_dma source(%dma_start3A_28 : memref<640x128xf32, #tpu.memory_space<hbm>>) target(%dma_start3A_26 : memref<640x128xf32, #tpu.memory_space<vmem_shared>>) target_semaphore(%run_scoped3A : memref<!tpu.dma_semaphore, #tpu.memory_space<semaphore_mem>>)
        %dma_wait3A = arith.constant 0 : i32
        %dma_wait3A_29 = tpu.memref_slice %arg8[%mul3A_2, %dma_wait3A] : memref<10240x128xf32, #tpu.memory_space<vmem_shared>> -> memref<640x128xf32, #tpu.memory_space<vmem_shared>>
        %dma_wait3A_30 = arith.constant 0 : i32
        %dma_wait3A_31 = tpu.memref_slice %arg4[%mul3A_2, %dma_wait3A_30] : memref<10240x128xf32, #tpu.memory_space<hbm>> -> memref<640x128xf32, #tpu.memory_space<hbm>>
        tpu.wait_dma2 semaphore(%run_scoped3A : memref<!tpu.dma_semaphore, #tpu.memory_space<semaphore_mem>>) src(%dma_wait3A_31 : memref<640x128xf32, #tpu.memory_space<hbm>>) dst(%dma_wait3A_29 : memref<640x128xf32, #tpu.memory_space<vmem_shared>>)
        tpu.yield
      }) : () -> ()
    } else {
    }
    %barrier3A = arith.constant 0 : index
    tpu.barrier barrier_id(%barrier3A)
    %lt3A = arith.constant 4 : i32
    %lt3A_9 = arith.cmpi slt, %add3A, %lt3A : i32
    %jit3A = arith.constant 1 : i32
    %jit3A_10 = arith.constant 0 : i32
    %select_n3A = arith.select %lt3A_9, %jit3A, %jit3A_10 : i32
    %add3A_11 = arith.constant 78 : i32
    %add3A_12 = arith.addi %add3A_11, %select_n3A : i32
    %while3A = arith.constant 0 : i32
    %while3A_13 = arith.constant 0 : i32
    %while3A_14 = arith.subi %add3A_12, %while3A_13 : i32
    %while3A_15 = arith.addi %while3A_13, %while3A_14 : i32
    %while3A_16 = arith.constant 1 : i32
    %while3A_17 = arith.divsi %while3A_14, %while3A_16 : i32
    %while3A_18 = arith.muli %while3A_17, %while3A_16 : i32
    %while3A_19 = arith.addi %while3A_13, %while3A_18 : i32
    %while3A_20 = arith.constant 1 : i32
    scf.for %while3A_26 = %while3A_13 to %while3A_19 step %while3A_20  : i32 {
      %mul3A_27 = arith.constant 32 : i32
      %mul3A_28 = arith.muli %mul3A_27, %while3A_26 : i32
      %add3A_29 = arith.addi %add3A, %mul3A_28 : i32
      "tpu.region"() ({
        %run_scoped3A_42 = tpu.sem_alloc : memref<!tpu.dma_semaphore, #tpu.memory_space<semaphore_mem>>
        %dma_start3A_43 = arith.constant 0 : i32
        %dma_start3A_44 = arith.constant 0 : i32
        %dma_start3A_45 = tpu.memref_slice %arg2[%add3A_29, %dma_start3A_43, %dma_start3A_44] : memref<2500x2x128xi32, #tpu.memory_space<hbm>> -> memref<1x2x128xi32, #tpu.memory_space<hbm>>
        %dma_start3A_46 = tpu.memref_squeeze %dma_start3A_45 : memref<1x2x128xi32, #tpu.memory_space<hbm>> -> memref<2x128xi32, #tpu.memory_space<hbm>>
        %dma_start3A_47 = arith.constant 0 : i32
        %dma_start3A_48 = arith.constant 0 : i32
        %dma_start3A_49 = tpu.memref_slice %arg2[%add3A_29, %dma_start3A_47, %dma_start3A_48] : memref<2500x2x128xi32, #tpu.memory_space<hbm>> -> memref<1x2x128xi32, #tpu.memory_space<hbm>>
        %dma_start3A_50 = tpu.memref_squeeze %dma_start3A_49 : memref<1x2x128xi32, #tpu.memory_space<hbm>> -> memref<2x128xi32, #tpu.memory_space<hbm>>
        tpu.enqueue_dma source(%dma_start3A_50 : memref<2x128xi32, #tpu.memory_space<hbm>>) target(%arg6 : memref<2x128xi32, #tpu.memory_space<vmem>>) target_semaphore(%run_scoped3A_42 : memref<!tpu.dma_semaphore, #tpu.memory_space<semaphore_mem>>)
        %dma_wait3A_51 = arith.constant 0 : i32
        %dma_wait3A_52 = arith.constant 0 : i32
        %dma_wait3A_53 = tpu.memref_slice %arg2[%add3A_29, %dma_wait3A_51, %dma_wait3A_52] : memref<2500x2x128xi32, #tpu.memory_space<hbm>> -> memref<1x2x128xi32, #tpu.memory_space<hbm>>
        %dma_wait3A_54 = tpu.memref_squeeze %dma_wait3A_53 : memref<1x2x128xi32, #tpu.memory_space<hbm>> -> memref<2x128xi32, #tpu.memory_space<hbm>>
        %dma_wait3A_55 = arith.constant 0 : i32
        %dma_wait3A_56 = arith.constant 0 : i32
        %dma_wait3A_57 = tpu.memref_slice %arg2[%add3A_29, %dma_wait3A_55, %dma_wait3A_56] : memref<2500x2x128xi32, #tpu.memory_space<hbm>> -> memref<1x2x128xi32, #tpu.memory_space<hbm>>
        %dma_wait3A_58 = tpu.memref_squeeze %dma_wait3A_57 : memref<1x2x128xi32, #tpu.memory_space<hbm>> -> memref<2x128xi32, #tpu.memory_space<hbm>>
        tpu.wait_dma2 semaphore(%run_scoped3A_42 : memref<!tpu.dma_semaphore, #tpu.memory_space<semaphore_mem>>) src(%dma_wait3A_58 : memref<2x128xi32, #tpu.memory_space<hbm>>) dst(%arg6 : memref<2x128xi32, #tpu.memory_space<vmem>>)
        tpu.yield
      }) : () -> ()
      %dma_start3A = arith.constant 0 : i32
      %dma_start3A_30 = arith.constant 0 : i32
      %dma_start3A_31 = tpu.memref_slice %arg6[%dma_start3A, %dma_start3A_30] : memref<2x128xi32, #tpu.memory_space<vmem>> -> memref<1x128xi32, #tpu.memory_space<vmem>>
      %dma_start3A_32 = tpu.memref_squeeze %dma_start3A_31 : memref<1x128xi32, #tpu.memory_space<vmem>> -> memref<128xi32, #tpu.memory_space<vmem>>
      %dma_start3A_33 = arith.constant 0 : i32
      %dma_start3A_34 = arith.constant 0 : i32
      %dma_start3A_35 = tpu.memref_slice %arg3[%dma_start3A_33, %dma_start3A_34] : memref<10240x128xf32, #tpu.memory_space<hbm>> -> memref<10240x128xf32, #tpu.memory_space<hbm>>
      tpu.enqueue_indirect_dma source(%dma_start3A_35 : memref<10240x128xf32, #tpu.memory_space<hbm>>) target(%arg7 : memref<128x128xf32, #tpu.memory_space<vmem>>) offsets(%dma_start3A_32 : memref<128xi32, #tpu.memory_space<vmem>>) semaphore(%arg9 : memref<!tpu.dma_semaphore, #tpu.memory_space<semaphore_mem>>)
      %dma_wait3A = arith.constant 0 : i32
      %dma_wait3A_36 = arith.constant 0 : i32
      %dma_wait3A_37 = tpu.memref_slice %arg6[%dma_wait3A, %dma_wait3A_36] : memref<2x128xi32, #tpu.memory_space<vmem>> -> memref<1x128xi32, #tpu.memory_space<vmem>>
      %dma_wait3A_38 = tpu.memref_squeeze %dma_wait3A_37 : memref<1x128xi32, #tpu.memory_space<vmem>> -> memref<128xi32, #tpu.memory_space<vmem>>
      %dma_wait3A_39 = arith.constant 0 : i32
      %dma_wait3A_40 = arith.constant 0 : i32
      %dma_wait3A_41 = tpu.memref_slice %arg3[%dma_wait3A_39, %dma_wait3A_40] : memref<10240x128xf32, #tpu.memory_space<hbm>> -> memref<10240x128xf32, #tpu.memory_space<hbm>>
      tpu.wait_indirect_dma semaphore(%arg9 : memref<!tpu.dma_semaphore, #tpu.memory_space<semaphore_mem>>) src(%dma_wait3A_41 : memref<10240x128xf32, #tpu.memory_space<hbm>>) dst(%arg7 : memref<128x128xf32, #tpu.memory_space<vmem>>)
      %run_scoped3A = arith.constant 1 : i32
      "tpu.region"() ({
        %run_scoped3A_42 = tpu.sem_alloc : memref<!tpu.dma_semaphore, #tpu.memory_space<semaphore_mem>>
        %dma_start3A_43 = arith.constant 0 : i32
        %dma_start3A_44 = tpu.memref_slice %arg6[%run_scoped3A, %dma_start3A_43] : memref<2x128xi32, #tpu.memory_space<vmem>> -> memref<1x128xi32, #tpu.memory_space<vmem>>
        %dma_start3A_45 = tpu.memref_squeeze %dma_start3A_44 : memref<1x128xi32, #tpu.memory_space<vmem>> -> memref<128xi32, #tpu.memory_space<vmem>>
        %dma_start3A_46 = arith.constant 0 : i32
        %dma_start3A_47 = arith.constant 0 : i32
        %dma_start3A_48 = tpu.memref_slice %arg8[%dma_start3A_46, %dma_start3A_47] : memref<10240x128xf32, #tpu.memory_space<vmem_shared>> -> memref<10240x128xf32, #tpu.memory_space<vmem_shared>>
        tpu.enqueue_indirect_dma source(%arg7 : memref<128x128xf32, #tpu.memory_space<vmem>>) target(%dma_start3A_48 : memref<10240x128xf32, #tpu.memory_space<vmem_shared>>) offsets(%dma_start3A_45 : memref<128xi32, #tpu.memory_space<vmem>>) semaphore(%run_scoped3A_42 : memref<!tpu.dma_semaphore, #tpu.memory_space<semaphore_mem>>) {add = true}
        %dma_wait3A_49 = arith.constant 0 : i32
        %dma_wait3A_50 = tpu.memref_slice %arg6[%run_scoped3A, %dma_wait3A_49] : memref<2x128xi32, #tpu.memory_space<vmem>> -> memref<1x128xi32, #tpu.memory_space<vmem>>
        %dma_wait3A_51 = tpu.memref_squeeze %dma_wait3A_50 : memref<1x128xi32, #tpu.memory_space<vmem>> -> memref<128xi32, #tpu.memory_space<vmem>>
        %dma_wait3A_52 = arith.constant 0 : i32
        %dma_wait3A_53 = arith.constant 0 : i32
        %dma_wait3A_54 = tpu.memref_slice %arg8[%dma_wait3A_52, %dma_wait3A_53] : memref<10240x128xf32, #tpu.memory_space<vmem_shared>> -> memref<10240x128xf32, #tpu.memory_space<vmem_shared>>
        tpu.wait_indirect_dma semaphore(%run_scoped3A_42 : memref<!tpu.dma_semaphore, #tpu.memory_space<semaphore_mem>>) src(%arg7 : memref<128x128xf32, #tpu.memory_space<vmem>>) dst(%dma_wait3A_54 : memref<10240x128xf32, #tpu.memory_space<vmem_shared>>)
        tpu.yield
      }) : () -> ()
    }
    %while3A_21 = arith.constant 1 : i32
    scf.for %while3A_26 = %while3A_19 to %while3A_15 step %while3A_21  : i32 {
      %mul3A_27 = arith.constant 32 : i32
      %mul3A_28 = arith.muli %mul3A_27, %while3A_26 : i32
      %add3A_29 = arith.addi %add3A, %mul3A_28 : i32
      "tpu.region"() ({
        %run_scoped3A_42 = tpu.sem_alloc : memref<!tpu.dma_semaphore, #tpu.memory_space<semaphore_mem>>
        %dma_start3A_43 = arith.constant 0 : i32
        %dma_start3A_44 = arith.constant 0 : i32
        %dma_start3A_45 = tpu.memref_slice %arg2[%add3A_29, %dma_start3A_43, %dma_start3A_44] : memref<2500x2x128xi32, #tpu.memory_space<hbm>> -> memref<1x2x128xi32, #tpu.memory_space<hbm>>
        %dma_start3A_46 = tpu.memref_squeeze %dma_start3A_45 : memref<1x2x128xi32, #tpu.memory_space<hbm>> -> memref<2x128xi32, #tpu.memory_space<hbm>>
        %dma_start3A_47 = arith.constant 0 : i32
        %dma_start3A_48 = arith.constant 0 : i32
        %dma_start3A_49 = tpu.memref_slice %arg2[%add3A_29, %dma_start3A_47, %dma_start3A_48] : memref<2500x2x128xi32, #tpu.memory_space<hbm>> -> memref<1x2x128xi32, #tpu.memory_space<hbm>>
        %dma_start3A_50 = tpu.memref_squeeze %dma_start3A_49 : memref<1x2x128xi32, #tpu.memory_space<hbm>> -> memref<2x128xi32, #tpu.memory_space<hbm>>
        tpu.enqueue_dma source(%dma_start3A_50 : memref<2x128xi32, #tpu.memory_space<hbm>>) target(%arg6 : memref<2x128xi32, #tpu.memory_space<vmem>>) target_semaphore(%run_scoped3A_42 : memref<!tpu.dma_semaphore, #tpu.memory_space<semaphore_mem>>)
        %dma_wait3A_51 = arith.constant 0 : i32
        %dma_wait3A_52 = arith.constant 0 : i32
        %dma_wait3A_53 = tpu.memref_slice %arg2[%add3A_29, %dma_wait3A_51, %dma_wait3A_52] : memref<2500x2x128xi32, #tpu.memory_space<hbm>> -> memref<1x2x128xi32, #tpu.memory_space<hbm>>
        %dma_wait3A_54 = tpu.memref_squeeze %dma_wait3A_53 : memref<1x2x128xi32, #tpu.memory_space<hbm>> -> memref<2x128xi32, #tpu.memory_space<hbm>>
        %dma_wait3A_55 = arith.constant 0 : i32
        %dma_wait3A_56 = arith.constant 0 : i32
        %dma_wait3A_57 = tpu.memref_slice %arg2[%add3A_29, %dma_wait3A_55, %dma_wait3A_56] : memref<2500x2x128xi32, #tpu.memory_space<hbm>> -> memref<1x2x128xi32, #tpu.memory_space<hbm>>
        %dma_wait3A_58 = tpu.memref_squeeze %dma_wait3A_57 : memref<1x2x128xi32, #tpu.memory_space<hbm>> -> memref<2x128xi32, #tpu.memory_space<hbm>>
        tpu.wait_dma2 semaphore(%run_scoped3A_42 : memref<!tpu.dma_semaphore, #tpu.memory_space<semaphore_mem>>) src(%dma_wait3A_58 : memref<2x128xi32, #tpu.memory_space<hbm>>) dst(%arg6 : memref<2x128xi32, #tpu.memory_space<vmem>>)
        tpu.yield
      }) : () -> ()
      %dma_start3A = arith.constant 0 : i32
      %dma_start3A_30 = arith.constant 0 : i32
      %dma_start3A_31 = tpu.memref_slice %arg6[%dma_start3A, %dma_start3A_30] : memref<2x128xi32, #tpu.memory_space<vmem>> -> memref<1x128xi32, #tpu.memory_space<vmem>>
      %dma_start3A_32 = tpu.memref_squeeze %dma_start3A_31 : memref<1x128xi32, #tpu.memory_space<vmem>> -> memref<128xi32, #tpu.memory_space<vmem>>
      %dma_start3A_33 = arith.constant 0 : i32
      %dma_start3A_34 = arith.constant 0 : i32
      %dma_start3A_35 = tpu.memref_slice %arg3[%dma_start3A_33, %dma_start3A_34] : memref<10240x128xf32, #tpu.memory_space<hbm>> -> memref<10240x128xf32, #tpu.memory_space<hbm>>
      tpu.enqueue_indirect_dma source(%dma_start3A_35 : memref<10240x128xf32, #tpu.memory_space<hbm>>) target(%arg7 : memref<128x128xf32, #tpu.memory_space<vmem>>) offsets(%dma_start3A_32 : memref<128xi32, #tpu.memory_space<vmem>>) semaphore(%arg9 : memref<!tpu.dma_semaphore, #tpu.memory_space<semaphore_mem>>)
      %dma_wait3A = arith.constant 0 : i32
      %dma_wait3A_36 = arith.constant 0 : i32
      %dma_wait3A_37 = tpu.memref_slice %arg6[%dma_wait3A, %dma_wait3A_36] : memref<2x128xi32, #tpu.memory_space<vmem>> -> memref<1x128xi32, #tpu.memory_space<vmem>>
      %dma_wait3A_38 = tpu.memref_squeeze %dma_wait3A_37 : memref<1x128xi32, #tpu.memory_space<vmem>> -> memref<128xi32, #tpu.memory_space<vmem>>
      %dma_wait3A_39 = arith.constant 0 : i32
      %dma_wait3A_40 = arith.constant 0 : i32
      %dma_wait3A_41 = tpu.memref_slice %arg3[%dma_wait3A_39, %dma_wait3A_40] : memref<10240x128xf32, #tpu.memory_space<hbm>> -> memref<10240x128xf32, #tpu.memory_space<hbm>>
      tpu.wait_indirect_dma semaphore(%arg9 : memref<!tpu.dma_semaphore, #tpu.memory_space<semaphore_mem>>) src(%dma_wait3A_41 : memref<10240x128xf32, #tpu.memory_space<hbm>>) dst(%arg7 : memref<128x128xf32, #tpu.memory_space<vmem>>)
      %run_scoped3A = arith.constant 1 : i32
      "tpu.region"() ({
        %run_scoped3A_42 = tpu.sem_alloc : memref<!tpu.dma_semaphore, #tpu.memory_space<semaphore_mem>>
        %dma_start3A_43 = arith.constant 0 : i32
        %dma_start3A_44 = tpu.memref_slice %arg6[%run_scoped3A, %dma_start3A_43] : memref<2x128xi32, #tpu.memory_space<vmem>> -> memref<1x128xi32, #tpu.memory_space<vmem>>
        %dma_start3A_45 = tpu.memref_squeeze %dma_start3A_44 : memref<1x128xi32, #tpu.memory_space<vmem>> -> memref<128xi32, #tpu.memory_space<vmem>>
        %dma_start3A_46 = arith.constant 0 : i32
        %dma_start3A_47 = arith.constant 0 : i32
        %dma_start3A_48 = tpu.memref_slice %arg8[%dma_start3A_46, %dma_start3A_47] : memref<10240x128xf32, #tpu.memory_space<vmem_shared>> -> memref<10240x128xf32, #tpu.memory_space<vmem_shared>>
        tpu.enqueue_indirect_dma source(%arg7 : memref<128x128xf32, #tpu.memory_space<vmem>>) target(%dma_start3A_48 : memref<10240x128xf32, #tpu.memory_space<vmem_shared>>) offsets(%dma_start3A_45 : memref<128xi32, #tpu.memory_space<vmem>>) semaphore(%run_scoped3A_42 : memref<!tpu.dma_semaphore, #tpu.memory_space<semaphore_mem>>) {add = true}
        %dma_wait3A_49 = arith.constant 0 : i32
        %dma_wait3A_50 = tpu.memref_slice %arg6[%run_scoped3A, %dma_wait3A_49] : memref<2x128xi32, #tpu.memory_space<vmem>> -> memref<1x128xi32, #tpu.memory_space<vmem>>
        %dma_wait3A_51 = tpu.memref_squeeze %dma_wait3A_50 : memref<1x128xi32, #tpu.memory_space<vmem>> -> memref<128xi32, #tpu.memory_space<vmem>>
        %dma_wait3A_52 = arith.constant 0 : i32
        %dma_wait3A_53 = arith.constant 0 : i32
        %dma_wait3A_54 = tpu.memref_slice %arg8[%dma_wait3A_52, %dma_wait3A_53] : memref<10240x128xf32, #tpu.memory_space<vmem_shared>> -> memref<10240x128xf32, #tpu.memory_space<vmem_shared>>
        tpu.wait_indirect_dma semaphore(%run_scoped3A_42 : memref<!tpu.dma_semaphore, #tpu.memory_space<semaphore_mem>>) src(%arg7 : memref<128x128xf32, #tpu.memory_space<vmem>>) dst(%dma_wait3A_54 : memref<10240x128xf32, #tpu.memory_space<vmem_shared>>)
        tpu.yield
      }) : () -> ()
    }
    %barrier3A_22 = arith.constant 0 : index
    tpu.barrier barrier_id(%barrier3A_22)
    %mul3A_23 = arith.constant 10240 : i32
    %mul3A_24 = arith.muli %arg0, %mul3A_23 : i32
    %add3A_25 = arith.addi %mul3A_24, %mul3A_2 : i32
    "tpu.region"() ({
      %run_scoped3A = tpu.sem_alloc : memref<!tpu.dma_semaphore, #tpu.memory_space<semaphore_mem>>
      %dma_start3A = arith.constant 0 : i32
      %dma_start3A_26 = tpu.memref_slice %arg5[%add3A_25, %dma_start3A] : memref<20480x128xf32, #tpu.memory_space<hbm>> -> memref<640x128xf32, #tpu.memory_space<hbm>>
      %dma_start3A_27 = arith.constant 0 : i32
      %dma_start3A_28 = tpu.memref_slice %arg8[%mul3A_2, %dma_start3A_27] : memref<10240x128xf32, #tpu.memory_space<vmem_shared>> -> memref<640x128xf32, #tpu.memory_space<vmem_shared>>
      tpu.enqueue_dma source(%dma_start3A_28 : memref<640x128xf32, #tpu.memory_space<vmem_shared>>) target(%dma_start3A_26 : memref<640x128xf32, #tpu.memory_space<hbm>>) target_semaphore(%run_scoped3A : memref<!tpu.dma_semaphore, #tpu.memory_space<semaphore_mem>>)
      %dma_wait3A = arith.constant 0 : i32
      %dma_wait3A_29 = tpu.memref_slice %arg5[%add3A_25, %dma_wait3A] : memref<20480x128xf32, #tpu.memory_space<hbm>> -> memref<640x128xf32, #tpu.memory_space<hbm>>
      %dma_wait3A_30 = arith.constant 0 : i32
      %dma_wait3A_31 = tpu.memref_slice %arg8[%mul3A_2, %dma_wait3A_30] : memref<10240x128xf32, #tpu.memory_space<vmem_shared>> -> memref<640x128xf32, #tpu.memory_space<vmem_shared>>
      tpu.wait_dma2 semaphore(%run_scoped3A : memref<!tpu.dma_semaphore, #tpu.memory_space<semaphore_mem>>) src(%dma_wait3A_31 : memref<640x128xf32, #tpu.memory_space<vmem_shared>>) dst(%dma_wait3A_29 : memref<640x128xf32, #tpu.memory_space<hbm>>)
      tpu.yield
    }) : () -> ()
    return
  }
}

module attributes {stable_mosaic.version = 14 : i64} {
  func.func @body(%arg0: i32, %arg1: memref<2048x2xf32, #tpu.memory_space<vmem>>, %arg2: memref<2048x128xf32, #tpu.memory_space<vmem>>, %arg3: memref<128x128xf32, #tpu.memory_space<vmem>>, %arg4: memref<2048x128xf32, #tpu.memory_space<vmem>>, %arg5: memref<2048x1xf32, #tpu.memory_space<vmem>>) attributes {dimension_semantics = [#tpu.dimension_semantics<arbitrary>], iteration_bounds = array<i64: 5>, scalar_prefetch = 0 : i64, scratch_operands = 0 : i64, tpu.core_type = #tpu.core_type<tc>, window_params = [{transform_indices = @transform_0, window_bounds = array<i64: 2048, 2>}, {transform_indices = @transform_1, window_bounds = array<i64: 2048, 128>}, {pipeline_mode = #tpu.pipeline_mode<synchronous>, transform_indices = @transform_2, window_bounds = array<i64: 128, 128>}, {transform_indices = @transform_3, window_bounds = array<i64: 2048, 128>}, {transform_indices = @transform_4, window_bounds = array<i64: 2048, 1>}]} {
    %get3A = arith.constant 0 : index
    %get3A_0 = arith.constant 0 : index
    %get3A_1 = vector.load %arg1[%get3A, %get3A_0] : memref<2048x2xf32, #tpu.memory_space<vmem>>, vector<2048x2xf32>
    %slice3A = vector.extract_strided_slice %get3A_1 {offsets = [0, 0], sizes = [2048, 1], strides = [1, 1]} : vector<2048x2xf32> to vector<2048x1xf32>
    %slice3A_2 = vector.extract_strided_slice %get3A_1 {offsets = [0, 1], sizes = [2048, 1], strides = [1, 1]} : vector<2048x2xf32> to vector<2048x1xf32>
    %add3A = arith.addf %slice3A, %slice3A_2 : vector<2048x1xf32>
    %add3A_3 = arith.constant 1.000000e+00 : f32
    %add3A_4 = vector.broadcast %add3A_3 : f32 to vector<2048x1xf32>
    %add3A_5 = arith.addf %add3A, %add3A_4 : vector<2048x1xf32>
    %rsqrt3A = math.rsqrt %add3A_5 : vector<2048x1xf32>
    %get3A_6 = arith.constant 0 : index
    %get3A_7 = arith.constant 0 : index
    %get3A_8 = vector.load %arg2[%get3A_6, %get3A_7] : memref<2048x128xf32, #tpu.memory_space<vmem>>, vector<2048x128xf32>
    %get3A_9 = arith.constant 0 : index
    %get3A_10 = arith.constant 0 : index
    %get3A_11 = vector.load %arg3[%get3A_9, %get3A_10] : memref<128x128xf32, #tpu.memory_space<vmem>>, vector<128x128xf32>
    %dot_general3A = arith.constant dense<0.000000e+00> : vector<2048x128xf32>
    %dot_general3A_12 = tpu.matmul %get3A_8, %get3A_11, %dot_general3A {dimension_numbers = #tpu.dot_dimension_numbers<[1], [0], [0], [1], [0, 0, 1, 1], [], []>, transpose_lhs_hint = false} : vector<2048x128xf32>, vector<128x128xf32>, vector<2048x128xf32> -> vector<2048x128xf32>
    %mul3A = vector.broadcast %rsqrt3A : vector<2048x1xf32> to vector<2048x128xf32>
    %mul3A_13 = arith.mulf %dot_general3A_12, %mul3A : vector<2048x128xf32>
    %swap3A = arith.constant 0 : index
    %swap3A_14 = arith.constant 0 : index
    %swap3A_15 = vector.load %arg4[%swap3A, %swap3A_14] : memref<2048x128xf32, #tpu.memory_space<vmem>>, vector<2048x128xf32>
    tpu.vector_store %arg4[%swap3A, %swap3A_14], %mul3A_13 {strides = array<i32>} : memref<2048x128xf32, #tpu.memory_space<vmem>>, vector<2048x128xf32>,
    %swap3A_16 = arith.constant 0 : index
    %swap3A_17 = arith.constant 0 : index
    %swap3A_18 = vector.load %arg5[%swap3A_16, %swap3A_17] : memref<2048x1xf32, #tpu.memory_space<vmem>>, vector<2048x1xf32>
    tpu.vector_store %arg5[%swap3A_16, %swap3A_17], %rsqrt3A {strides = array<i32>} : memref<2048x1xf32, #tpu.memory_space<vmem>>, vector<2048x1xf32>,
    return
  }
  func.func @transform_0(%arg0: i32) -> (i32, i32) {
    %c0_i32 = arith.constant 0 : i32
    %c0_i32_0 = arith.constant 0 : i32
    return %arg0, %c0_i32 : i32, i32
  }
  func.func @transform_1(%arg0: i32) -> (i32, i32) {
    %c0_i32 = arith.constant 0 : i32
    %c0_i32_0 = arith.constant 0 : i32
    return %arg0, %c0_i32 : i32, i32
  }
  func.func @transform_2(%arg0: i32) -> (i32, i32) {
    %c0_i32 = arith.constant 0 : i32
    %c0_i32_0 = arith.constant 0 : i32
    %c0_i32_1 = arith.constant 0 : i32
    return %c0_i32, %c0_i32_0 : i32, i32
  }
  func.func @transform_3(%arg0: i32) -> (i32, i32) {
    %c0_i32 = arith.constant 0 : i32
    %c0_i32_0 = arith.constant 0 : i32
    return %arg0, %c0_i32 : i32, i32
  }
  func.func @transform_4(%arg0: i32) -> (i32, i32) {
    %c0_i32 = arith.constant 0 : i32
    %c0_i32_0 = arith.constant 0 : i32
    return %arg0, %c0_i32 : i32, i32
  }
}

module attributes {stable_mosaic.version = 14 : i64} {
  func.func @body(%arg0: i32, %arg1: memref<2048x128xf32, #tpu.memory_space<vmem>>, %arg2: memref<2048x128xf32, #tpu.memory_space<vmem>>, %arg3: memref<2048x1xf32, #tpu.memory_space<vmem>>, %arg4: memref<1x128xf32, #tpu.memory_space<vmem>>, %arg5: memref<128x128xf32, #tpu.memory_space<vmem>>, %arg6: memref<2048x128xf32, #tpu.memory_space<vmem>>) attributes {dimension_semantics = [#tpu.dimension_semantics<arbitrary>], iteration_bounds = array<i64: 5>, scalar_prefetch = 0 : i64, scratch_operands = 0 : i64, tpu.core_type = #tpu.core_type<tc>, window_params = [{transform_indices = @transform_0, window_bounds = array<i64: 2048, 128>}, {transform_indices = @transform_1, window_bounds = array<i64: 2048, 128>}, {transform_indices = @transform_2, window_bounds = array<i64: 2048, 1>}, {pipeline_mode = #tpu.pipeline_mode<synchronous>, transform_indices = @transform_3, window_bounds = array<i64: 1, 128>}, {pipeline_mode = #tpu.pipeline_mode<synchronous>, transform_indices = @transform_4, window_bounds = array<i64: 128, 128>}, {transform_indices = @transform_5, window_bounds = array<i64: 2048, 128>}]} {
    %get3A = arith.constant 0 : index
    %get3A_0 = arith.constant 0 : index
    %get3A_1 = vector.load %arg3[%get3A, %get3A_0] : memref<2048x1xf32, #tpu.memory_space<vmem>>, vector<2048x1xf32>
    %get3A_2 = arith.constant 0 : index
    %get3A_3 = arith.constant 0 : index
    %get3A_4 = vector.load %arg1[%get3A_2, %get3A_3] : memref<2048x128xf32, #tpu.memory_space<vmem>>, vector<2048x128xf32>
    %get3A_5 = arith.constant 0 : index
    %get3A_6 = arith.constant 0 : index
    %get3A_7 = vector.load %arg2[%get3A_5, %get3A_6] : memref<2048x128xf32, #tpu.memory_space<vmem>>, vector<2048x128xf32>
    %add3A = arith.addf %get3A_4, %get3A_7 : vector<2048x128xf32>
    %mul3A = vector.broadcast %get3A_1 : vector<2048x1xf32> to vector<2048x128xf32>
    %mul3A_8 = arith.mulf %mul3A, %add3A : vector<2048x128xf32>
    %get3A_9 = arith.constant 0 : index
    %get3A_10 = arith.constant 0 : index
    %get3A_11 = vector.load %arg4[%get3A_9, %get3A_10] : memref<1x128xf32, #tpu.memory_space<vmem>>, vector<1x128xf32>
    %add3A_12 = vector.broadcast %get3A_11 : vector<1x128xf32> to vector<2048x128xf32>
    %add3A_13 = arith.addf %mul3A_8, %add3A_12 : vector<2048x128xf32>
    %max3A = arith.constant 0.000000e+00 : f32
    %max3A_14 = vector.broadcast %max3A : f32 to vector<2048x128xf32>
    %max3A_15 = arith.maximumf %add3A_13, %max3A_14 : vector<2048x128xf32>
    %get3A_16 = arith.constant 0 : index
    %get3A_17 = arith.constant 0 : index
    %get3A_18 = vector.load %arg5[%get3A_16, %get3A_17] : memref<128x128xf32, #tpu.memory_space<vmem>>, vector<128x128xf32>
    %dot_general3A = arith.constant dense<0.000000e+00> : vector<2048x128xf32>
    %dot_general3A_19 = tpu.matmul %max3A_15, %get3A_18, %dot_general3A {dimension_numbers = #tpu.dot_dimension_numbers<[1], [0], [0], [1], [0, 0, 1, 1], [], []>, transpose_lhs_hint = false} : vector<2048x128xf32>, vector<128x128xf32>, vector<2048x128xf32> -> vector<2048x128xf32>
    %mul3A_20 = vector.broadcast %get3A_1 : vector<2048x1xf32> to vector<2048x128xf32>
    %mul3A_21 = arith.mulf %dot_general3A_19, %mul3A_20 : vector<2048x128xf32>
    %swap3A = arith.constant 0 : index
    %swap3A_22 = arith.constant 0 : index
    %swap3A_23 = vector.load %arg6[%swap3A, %swap3A_22] : memref<2048x128xf32, #tpu.memory_space<vmem>>, vector<2048x128xf32>
    tpu.vector_store %arg6[%swap3A, %swap3A_22], %mul3A_21 {strides = array<i32>} : memref<2048x128xf32, #tpu.memory_space<vmem>>, vector<2048x128xf32>,
    return
  }
  func.func @transform_0(%arg0: i32) -> (i32, i32) {
    %c0_i32 = arith.constant 0 : i32
    %c0_i32_0 = arith.constant 0 : i32
    return %arg0, %c0_i32 : i32, i32
  }
  func.func @transform_1(%arg0: i32) -> (i32, i32) {
    %c0_i32 = arith.constant 0 : i32
    %c0_i32_0 = arith.constant 0 : i32
    return %arg0, %c0_i32 : i32, i32
  }
  func.func @transform_2(%arg0: i32) -> (i32, i32) {
    %c0_i32 = arith.constant 0 : i32
    %c0_i32_0 = arith.constant 0 : i32
    return %arg0, %c0_i32 : i32, i32
  }
  func.func @transform_3(%arg0: i32) -> (i32, i32) {
    %c0_i32 = arith.constant 0 : i32
    %c0_i32_0 = arith.constant 0 : i32
    %c0_i32_1 = arith.constant 0 : i32
    return %c0_i32, %c0_i32_0 : i32, i32
  }
  func.func @transform_4(%arg0: i32) -> (i32, i32) {
    %c0_i32 = arith.constant 0 : i32
    %c0_i32_0 = arith.constant 0 : i32
    %c0_i32_1 = arith.constant 0 : i32
    return %c0_i32, %c0_i32_0 : i32, i32
  }
  func.func @transform_5(%arg0: i32) -> (i32, i32) {
    %c0_i32 = arith.constant 0 : i32
    %c0_i32_0 = arith.constant 0 : i32
    return %arg0, %c0_i32 : i32, i32
  }
}

module attributes {stable_mosaic.version = 14 : i64} {
  func.func @body(%arg0: i32, %arg1: memref<2048x128xf32, #tpu.memory_space<vmem>>, %arg2: memref<2048x128xf32, #tpu.memory_space<vmem>>, %arg3: memref<2048x1xf32, #tpu.memory_space<vmem>>, %arg4: memref<1x128xf32, #tpu.memory_space<vmem>>, %arg5: memref<2048x1xi32, #tpu.memory_space<vmem>>, %arg6: memref<128x2xf32, #tpu.memory_space<vmem>>, %arg7: memref<1x2xf32, #tpu.memory_space<vmem>>, %arg8: memref<64x2xf32, #tpu.memory_space<vmem>>, %arg9: memref<64x128xf32, #tpu.memory_space<vmem>>, %arg10: memref<64x128xf32, #tpu.memory_space<vmem>>) attributes {dimension_semantics = [#tpu.dimension_semantics<arbitrary>], iteration_bounds = array<i64: 5>, scalar_prefetch = 0 : i64, scratch_operands = 2 : i64, tpu.core_type = #tpu.core_type<tc>, window_params = [{transform_indices = @transform_0, window_bounds = array<i64: 2048, 128>}, {transform_indices = @transform_1, window_bounds = array<i64: 2048, 128>}, {transform_indices = @transform_2, window_bounds = array<i64: 2048, 1>}, {pipeline_mode = #tpu.pipeline_mode<synchronous>, transform_indices = @transform_3, window_bounds = array<i64: 1, 128>}, {transform_indices = @transform_4, window_bounds = array<i64: 2048, 1>}, {pipeline_mode = #tpu.pipeline_mode<synchronous>, transform_indices = @transform_5, window_bounds = array<i64: 128, 2>}, {pipeline_mode = #tpu.pipeline_mode<synchronous>, transform_indices = @transform_6, window_bounds = array<i64: 1, 2>}, {pipeline_mode = #tpu.pipeline_mode<synchronous>, transform_indices = @transform_7, window_bounds = array<i64: 64, 2>}]} {
    %eq3A = arith.constant 0 : i32
    %eq3A_0 = arith.cmpi eq, %arg0, %eq3A : i32
    %convert_element_type3A = arith.extui %eq3A_0 : i1 to i32
    %cond3A = arith.constant 0 : i32
    %cond3A_1 = arith.cmpi ne, %convert_element_type3A, %cond3A : i32
    scf.if %cond3A_1 {
      %broadcast_in_dim3A_48 = arith.constant 0.000000e+00 : f32
      %broadcast_in_dim3A_49 = vector.broadcast %broadcast_in_dim3A_48 : f32 to vector<64x128xf32>
      %swap3A_50 = arith.constant 0 : index
      %swap3A_51 = arith.constant 0 : index
      %swap3A_52 = vector.load %arg9[%swap3A_50, %swap3A_51] : memref<64x128xf32, #tpu.memory_space<vmem>>, vector<64x128xf32>
      tpu.vector_store %arg9[%swap3A_50, %swap3A_51], %broadcast_in_dim3A_49 {strides = array<i32>} : memref<64x128xf32, #tpu.memory_space<vmem>>, vector<64x128xf32>,
      %broadcast_in_dim3A_53 = arith.constant 0.000000e+00 : f32
      %broadcast_in_dim3A_54 = vector.broadcast %broadcast_in_dim3A_53 : f32 to vector<64x128xf32>
      %swap3A_55 = arith.constant 0 : index
      %swap3A_56 = arith.constant 0 : index
      %swap3A_57 = vector.load %arg10[%swap3A_55, %swap3A_56] : memref<64x128xf32, #tpu.memory_space<vmem>>, vector<64x128xf32>
      tpu.vector_store %arg10[%swap3A_55, %swap3A_56], %broadcast_in_dim3A_54 {strides = array<i32>} : memref<64x128xf32, #tpu.memory_space<vmem>>, vector<64x128xf32>,
    } else {
    }
    %get3A = arith.constant 0 : index
    %get3A_2 = arith.constant 0 : index
    %get3A_3 = vector.load %arg3[%get3A, %get3A_2] : memref<2048x1xf32, #tpu.memory_space<vmem>>, vector<2048x1xf32>
    %get3A_4 = arith.constant 0 : index
    %get3A_5 = arith.constant 0 : index
    %get3A_6 = vector.load %arg1[%get3A_4, %get3A_5] : memref<2048x128xf32, #tpu.memory_space<vmem>>, vector<2048x128xf32>
    %get3A_7 = arith.constant 0 : index
    %get3A_8 = arith.constant 0 : index
    %get3A_9 = vector.load %arg2[%get3A_7, %get3A_8] : memref<2048x128xf32, #tpu.memory_space<vmem>>, vector<2048x128xf32>
    %add3A = arith.addf %get3A_6, %get3A_9 : vector<2048x128xf32>
    %mul3A = vector.broadcast %get3A_3 : vector<2048x1xf32> to vector<2048x128xf32>
    %mul3A_10 = arith.mulf %mul3A, %add3A : vector<2048x128xf32>
    %get3A_11 = arith.constant 0 : index
    %get3A_12 = arith.constant 0 : index
    %get3A_13 = vector.load %arg4[%get3A_11, %get3A_12] : memref<1x128xf32, #tpu.memory_space<vmem>>, vector<1x128xf32>
    %add3A_14 = vector.broadcast %get3A_13 : vector<1x128xf32> to vector<2048x128xf32>
    %add3A_15 = arith.addf %mul3A_10, %add3A_14 : vector<2048x128xf32>
    %max3A = arith.constant 0.000000e+00 : f32
    %max3A_16 = vector.broadcast %max3A : f32 to vector<2048x128xf32>
    %max3A_17 = arith.maximumf %add3A_15, %max3A_16 : vector<2048x128xf32>
    %get3A_18 = arith.constant 0 : index
    %get3A_19 = arith.constant 0 : index
    %get3A_20 = vector.load %arg5[%get3A_18, %get3A_19] : memref<2048x1xi32, #tpu.memory_space<vmem>>, vector<2048x1xi32>
    %iota3A = tpu.iota {dimensions = array<i32: 1>} : vector<1x64xi32>
    %eq3A_21 = vector.broadcast %get3A_20 : vector<2048x1xi32> to vector<2048x64xi32>
    %eq3A_22 = vector.broadcast %iota3A : vector<1x64xi32> to vector<2048x64xi32>
    %eq3A_23 = arith.cmpi eq, %eq3A_21, %eq3A_22 : vector<2048x64xi32>
    %convert_element_type3A_24 = arith.extui %eq3A_23 : vector<2048x64xi1> to vector<2048x64xi32>
    %convert_element_type3A_25 = arith.sitofp %convert_element_type3A_24 : vector<2048x64xi32> to vector<2048x64xf32>
    %get3A_26 = arith.constant 0 : index
    %get3A_27 = arith.constant 0 : index
    %get3A_28 = vector.load %arg9[%get3A_26, %get3A_27] : memref<64x128xf32, #tpu.memory_space<vmem>>, vector<64x128xf32>
    %dot_general3A = arith.constant dense<0.000000e+00> : vector<64x128xf32>
    %dot_general3A_29 = tpu.matmul %convert_element_type3A_25, %max3A_17, %dot_general3A {dimension_numbers = #tpu.dot_dimension_numbers<[0], [0], [1], [1], [0, 1, 1, 1], [], []>, transpose_lhs_hint = false} : vector<2048x64xf32>, vector<2048x128xf32>, vector<64x128xf32> -> vector<64x128xf32>
    %add3A_30 = arith.addf %get3A_28, %dot_general3A_29 : vector<64x128xf32>
    %swap3A = arith.constant 0 : index
    %swap3A_31 = arith.constant 0 : index
    %swap3A_32 = vector.load %arg9[%swap3A, %swap3A_31] : memref<64x128xf32, #tpu.memory_space<vmem>>, vector<64x128xf32>
    tpu.vector_store %arg9[%swap3A, %swap3A_31], %add3A_30 {strides = array<i32>} : memref<64x128xf32, #tpu.memory_space<vmem>>, vector<64x128xf32>,
    %reduce_sum3A = arith.constant dense<0.000000e+00> : vector<64xf32>
    %reduce_sum3A_33 = vector.multi_reduction <add>, %convert_element_type3A_25, %reduce_sum3A [0] : vector<2048x64xf32> to vector<64xf32>
    %broadcast_in_dim3A = vector.shape_cast %reduce_sum3A_33 : vector<64xf32> to vector<64x1xf32>
    %get3A_34 = arith.constant 0 : index
    %get3A_35 = arith.constant 0 : index
    %get3A_36 = vector.load %arg10[%get3A_34, %get3A_35] : memref<64x128xf32, #tpu.memory_space<vmem>>, vector<64x128xf32>
    %broadcast_in_dim3A_37 = vector.shape_cast %broadcast_in_dim3A : vector<64x1xf32> to vector<64x1xf32>
    %broadcast_in_dim3A_38 = vector.broadcast %broadcast_in_dim3A_37 : vector<64x1xf32> to vector<64x128xf32>
    %add3A_39 = arith.addf %get3A_36, %broadcast_in_dim3A_38 : vector<64x128xf32>
    %swap3A_40 = arith.constant 0 : index
    %swap3A_41 = arith.constant 0 : index
    %swap3A_42 = vector.load %arg10[%swap3A_40, %swap3A_41] : memref<64x128xf32, #tpu.memory_space<vmem>>, vector<64x128xf32>
    tpu.vector_store %arg10[%swap3A_40, %swap3A_41], %add3A_39 {strides = array<i32>} : memref<64x128xf32, #tpu.memory_space<vmem>>, vector<64x128xf32>,
    %eq3A_43 = arith.constant 4 : i32
    %eq3A_44 = arith.cmpi eq, %arg0, %eq3A_43 : i32
    %convert_element_type3A_45 = arith.extui %eq3A_44 : i1 to i32
    %cond3A_46 = arith.constant 0 : i32
    %cond3A_47 = arith.cmpi ne, %convert_element_type3A_45, %cond3A_46 : i32
    scf.if %cond3A_47 {
      %get3A_48 = arith.constant 0 : index
      %get3A_49 = arith.constant 0 : index
      %get3A_50 = vector.load %arg9[%get3A_48, %get3A_49] : memref<64x128xf32, #tpu.memory_space<vmem>>, vector<64x128xf32>
      %get3A_51 = arith.constant 0 : index
      %get3A_52 = arith.constant 0 : index
      %get3A_53 = vector.load %arg10[%get3A_51, %get3A_52] : memref<64x128xf32, #tpu.memory_space<vmem>>, vector<64x128xf32>
      %max3A_54 = arith.constant 1.000000e+00 : f32
      %max3A_55 = vector.broadcast %max3A_54 : f32 to vector<64x128xf32>
      %max3A_56 = arith.maximumf %get3A_53, %max3A_55 : vector<64x128xf32>
      %div3A = arith.divf %get3A_50, %max3A_56 : vector<64x128xf32>
      %get3A_57 = arith.constant 0 : index
      %get3A_58 = arith.constant 0 : index
      %get3A_59 = vector.load %arg6[%get3A_57, %get3A_58] : memref<128x2xf32, #tpu.memory_space<vmem>>, vector<128x2xf32>
      %dot_general3A_60 = arith.constant dense<0.000000e+00> : vector<64x2xf32>
      %dot_general3A_61 = tpu.matmul %div3A, %get3A_59, %dot_general3A_60 {dimension_numbers = #tpu.dot_dimension_numbers<[1], [0], [0], [1], [0, 0, 1, 1], [], []>, transpose_lhs_hint = false} : vector<64x128xf32>, vector<128x2xf32>, vector<64x2xf32> -> vector<64x2xf32>
      %get3A_62 = arith.constant 0 : index
      %get3A_63 = arith.constant 0 : index
      %get3A_64 = vector.load %arg7[%get3A_62, %get3A_63] : memref<1x2xf32, #tpu.memory_space<vmem>>, vector<1x2xf32>
      %add3A_65 = vector.broadcast %get3A_64 : vector<1x2xf32> to vector<64x2xf32>
      %add3A_66 = arith.addf %dot_general3A_61, %add3A_65 : vector<64x2xf32>
      %swap3A_67 = arith.constant 0 : index
      %swap3A_68 = arith.constant 0 : index
      %swap3A_69 = vector.load %arg8[%swap3A_67, %swap3A_68] : memref<64x2xf32, #tpu.memory_space<vmem>>, vector<64x2xf32>
      tpu.vector_store %arg8[%swap3A_67, %swap3A_68], %add3A_66 {strides = array<i32>} : memref<64x2xf32, #tpu.memory_space<vmem>>, vector<64x2xf32>,
    } else {
    }
    return
  }
  func.func @transform_0(%arg0: i32) -> (i32, i32) {
    %c0_i32 = arith.constant 0 : i32
    %c0_i32_0 = arith.constant 0 : i32
    return %arg0, %c0_i32 : i32, i32
  }
  func.func @transform_1(%arg0: i32) -> (i32, i32) {
    %c0_i32 = arith.constant 0 : i32
    %c0_i32_0 = arith.constant 0 : i32
    return %arg0, %c0_i32 : i32, i32
  }
  func.func @transform_2(%arg0: i32) -> (i32, i32) {
    %c0_i32 = arith.constant 0 : i32
    %c0_i32_0 = arith.constant 0 : i32
    return %arg0, %c0_i32 : i32, i32
  }
  func.func @transform_3(%arg0: i32) -> (i32, i32) {
    %c0_i32 = arith.constant 0 : i32
    %c0_i32_0 = arith.constant 0 : i32
    %c0_i32_1 = arith.constant 0 : i32
    return %c0_i32, %c0_i32_0 : i32, i32
  }
  func.func @transform_4(%arg0: i32) -> (i32, i32) {
    %c0_i32 = arith.constant 0 : i32
    %c0_i32_0 = arith.constant 0 : i32
    return %arg0, %c0_i32 : i32, i32
  }
  func.func @transform_5(%arg0: i32) -> (i32, i32) {
    %c0_i32 = arith.constant 0 : i32
    %c0_i32_0 = arith.constant 0 : i32
    %c0_i32_1 = arith.constant 0 : i32
    return %c0_i32, %c0_i32_0 : i32, i32
  }
  func.func @transform_6(%arg0: i32) -> (i32, i32) {
    %c0_i32 = arith.constant 0 : i32
    %c0_i32_0 = arith.constant 0 : i32
    %c0_i32_1 = arith.constant 0 : i32
    return %c0_i32, %c0_i32_0 : i32, i32
  }
  func.func @transform_7(%arg0: i32) -> (i32, i32) {
    %c0_i32 = arith.constant 0 : i32
    %c0_i32_0 = arith.constant 0 : i32
    %c0_i32_1 = arith.constant 0 : i32
    return %c0_i32, %c0_i32_0 : i32, i32
  }
}

</mosaic_0001>

<sc_bundles>
// kernel: kernel.11.cloned.1.call-start
scs
__scs_entry_jumppad:
0x0: {  	(pc) =	sbr.rel $0x88, $3  }
0x1: {  	(tag) =	ssettag $0x0;
	lr =	simm.s32 $0x1  }
0x2: {  	[smem:$0x3F98] =	sst lr;
	_ =	strace $0xD0000000  }
0x3: {  	_ = 	snop  }
0x4: {  	_ = 	snop  }
0x5: {  	_ = 	snop  }
0x6: {  	_ = 	snop  }
0x7: {  	_ = 	snop  }
__scs_overlays_trampoline_lowered:
0x8: {  	[smem:$0x3FA7] =	sst s0  }
0x9: {  	[smem:$0x3FA8] =	sst s1  }
0xa: {  	[smem:$0x3FA9] =	sst s2  }
0xb: {  	[smem:$0x3FAA] =	sst s3  }
0xc: {  	[smem:$0x3FAB] =	sst s4  }
0xd: {  	[smem:$0x3FAC] =	sst s5  }
0xe: {  	[smem:$0x3FAD] =	sst s6  }
0xf: {  	[smem:$0x3FAE] =	sst s7  }
0x10: {  	[smem:$0x3FAF] =	sst s8  }
0x11: {  	[smem:$0x3FB0] =	sst s9;
	s0 =	simm.s32 @!p0 $0x0  }
0x12: {  	s1 =	sld [smem:$0x3F96];
	s0 =	simm.s32 @p0 $0x1  }
0x13: {  	[smem:$0x3FB1] =	sst s0;
	s0 =	simm.s32 @!p1 $0x0  }
0x14: {  	s2 =	sld [smem:$0x3F95];
	s0 =	simm.s32 @p1 $0x1  }
0x15: {  	[smem:$0x3FB2] =	sst s0;
	s0 =	simm.s32 @!p2 $0x0  }
0x16: {  	s3 =	sld [smem:$0x3FDB];
	s0 =	simm.s32 @p2 $0x1  }
0x17: {  	s4 =	simm.s32 $0x1BF5;
	[smem:$0x3FB4] =	sst s0  }
0x18: {  	s0 =	sld [smem:$0x3F97];
	_ =	swait.ge [sflag:s4], $0x0  }
0x19: {  	s7 =	sld [smem:$0x3F98]  }
0x1a: {  	s8 =	sadd.s32 $0xFFFFE003, lr  }
0x1b: {  	s9 =	sadd.s32 $0xFFFFFEF7, lr;
	s5 =	simm.s32 $0xFFFFFFFF;
	p2 =	slt.u32 s8, $0xFFFFF086  }
0x1c: {  	p1 =	slt.u32 s9, $0xF7A;
	s5 =	simm.s32 @!p2 $0x0  }
0x1d: {  	s5 =	simm.s32 @p1 $0x1;
	p0 =	seq.s32 s7, s2  }
0x1e: {  	s7 =	smul.u32 @!p0 $0xF7A, s2;
	p2 =	seq.s32 @!p0 s5, $0x0  }
0x1f: {  	s9 =	smul.u32 $0xF7A, s1;
	s8 =	simm.s32 @!p0 $0x1BF5;
	p2 =	por !p2, p0  }
0x20: {  	[sflag:s8] =	ssyncset.s32 @!p0 $0xFFFFF086;
	s6 =	sadd.s32 @!p0 s3, s7;
	s7 =	simm.s32 @!p0 $0x108  }
0x21: {  	s3 =	sadd.s32 s3, s9;
	s6 =	sadd.s32 @!p0 $0x88, s6;
	s7 =	simm.s32 @p2 $0x1082  }
0x22: {  	[simem:s7], [sflag:s8] =	dma.local @!p0 [hbm:s6], $0xF7A  }
0x23: {  	s9 =	sor.u32 $0xD0000000, s2;
	s6 =	simm.s32 $0x108;
	_ =	swait.ge @!p0 [sflag:s8], $0x0  }
0x24: {  	s3 =	sadd.s32 $0x88, s3;
	s6 =	simm.s32 @!p1 $0x1082;
	[sflag:s4] =	ssyncset.s32 $0xFFFFF086  }
0x25: {  	[simem:s6], [sflag:s4] =	dma.local [hbm:s3], $0xF7A  }
0x26: {  	[smem:$0x3F98] =	sst s1;
	(tag) =	ssettag s2;
	_ =	strace s9  }
0x27: {  	s1 =	sld [smem:$0x3FA8]  }
0x28: {  	s2 =	sld [smem:$0x3FA9]  }
0x29: {  	s4 =	sld [smem:$0x3FAB]  }
0x2a: {  	p0 =	seq.s32 s5, $0x0;
	s5 =	sld [smem:$0x3FAC]  }
0x2b: {  	s6 =	sld [smem:$0x3FAD]  }
0x2c: {  	s7 =	sld [smem:$0x3FAE]  }
0x2d: {  	s3 =	simm.s32 $0x108;
	s8 =	sld [smem:$0x3FAF]  }
0x2e: {  	s3 =	simm.s32 @!p0 $0x1082;
	s9 =	sld [smem:$0x3FB0]  }
0x2f: {  	lr =	sadd.s32 s0, s3;
	s0 =	sld [smem:$0x3FA7]  }
0x30: {  	s3 =	sld [smem:$0x3FAA]  }
0x31: {  	[smem:$0x3FB3] =	sst s10  }
0x32: {  	s10 =	sld [smem:$0x3FB1];
	_ =	sdelay $0x3  }
0x33: {  	p0 =	seq.s32 s10, $0x1;
	s10 =	sld [smem:$0x3FB3];
	_ =	sdelay $0x3  }
0x34: {  	[smem:$0x3FB3] =	sst s10  }
0x35: {  	s10 =	sld [smem:$0x3FB2];
	_ =	sdelay $0x3  }
0x36: {  	p1 =	seq.s32 s10, $0x1;
	s10 =	sld [smem:$0x3FB3];
	_ =	sdelay $0x3  }
0x37: {  	[smem:$0x3FB3] =	sst s10  }
0x38: {  	s10 =	sld [smem:$0x3FB4]  }
0x39: {  	_ = 	snop;
	(pc) =	sbr.ind lr, $3  }
0x3a: {  	_ = 	snop  }
0x3b: {  	_ = 	snop  }
0x3c: {  	p2 =	seq.s32 s10, $0x1;
	s10 =	sld [smem:$0x3FB3]  }
0x3d: {  	_ =	shalt  }
0x3e: {  	_ =	shalt  }
0x3f: {  	_ =	shalt  }
0x40: {  	_ =	shalt  }
0x41: {  	_ =	shalt  }
0x42: {  	_ =	shalt  }
0x43: {  	_ =	shalt  }
0x44: {  	_ =	shalt  }
0x45: {  	_ =	shalt  }
0x46: {  	_ =	shalt  }
0x47: {  	_ =	shalt  }
0x48: {  	_ =	shalt  }
0x49: {  	_ =	shalt  }
0x4a: {  	_ =	shalt  }
0x4b: {  	_ =	shalt  }
0x4c: {  	_ =	shalt  }
0x4d: {  	_ =	shalt  }
0x4e: {  	_ =	shalt  }
0x4f: {  	_ =	shalt  }
0x50: {  	_ =	shalt  }
0x51: {  	_ =	shalt  }
0x52: {  	_ =	shalt  }
0x53: {  	_ =	shalt  }
0x54: {  	_ =	shalt  }
0x55: {  	_ =	shalt  }
0x56: {  	_ =	shalt  }
0x57: {  	_ =	shalt  }
0x58: {  	_ =	shalt  }
0x59: {  	_ =	shalt  }
0x5a: {  	_ =	shalt  }
0x5b: {  	_ =	shalt  }
0x5c: {  	_ =	shalt  }
0x5d: {  	_ =	shalt  }
0x5e: {  	_ =	shalt  }
0x5f: {  	_ =	shalt  }
0x60: {  	_ =	shalt  }
0x61: {  	_ =	shalt  }
0x62: {  	_ =	shalt  }
0x63: {  	_ =	shalt  }
0x64: {  	_ =	shalt  }
0x65: {  	_ =	shalt  }
0x66: {  	_ =	shalt  }
0x67: {  	_ =	shalt  }
0x68: {  	_ =	shalt  }
0x69: {  	_ =	shalt  }
0x6a: {  	_ =	shalt  }
0x6b: {  	_ =	shalt  }
0x6c: {  	_ =	shalt  }
0x6d: {  	_ =	shalt  }
0x6e: {  	_ =	shalt  }
0x6f: {  	_ =	shalt  }
0x70: {  	_ =	shalt  }
0x71: {  	_ =	shalt  }
0x72: {  	_ =	shalt  }
0x73: {  	_ =	shalt  }
0x74: {  	_ =	shalt  }
0x75: {  	_ =	shalt  }
0x76: {  	_ =	shalt  }
0x77: {  	_ =	shalt  }
0x78: {  	_ =	shalt  }
0x79: {  	_ =	shalt  }
0x7a: {  	_ =	shalt  }
0x7b: {  	_ =	shalt  }
0x7c: {  	_ =	shalt  }
0x7d: {  	_ =	shalt  }
0x7e: {  	_ =	shalt  }
0x7f: {  	_ =	shalt  }
0x80: {  	_ =	shalt  }
0x81: {  	_ =	shalt  }
0x82: {  	_ =	shalt  }
0x83: {  	_ =	shalt  }
0x84: {  	_ =	shalt  }
0x85: {  	_ =	shalt  }
0x86: {  	_ =	shalt  }
0x87: {  	_ =	shalt  }
.Lfunc_end0:
.L_simem_size_0:
called_computation.1_lowered:
.L_overlay_start_0:
0x88: {  	s2 =	sld [smem:$0x3FD9]  }
0x89: {  	s3 =	sld [smem:$0x3FFE];
	_ =	sdelay $0x1  }
0x8a: {  	s1 =	srdreg.scid  }
0x8b: {  	s0 =	sand.u32 $0x1, s1  }
0x8c: {  	s17 =	sshll.u32 s0, $0xA;
	s2 =	sadd.s32 s3, s2  }
0x8d: {  	s2 =	sadd.s32 s2, s17  }
0x8e: {  	[smem:$0x3FBF] =	sst s2  }
0x8f: {  	_ = 	snop  }
0x90: {  	s2 =	sld [smem:$0x3FC8];
	(tm) =	ssettm $0x1  }
0x91: {  	s18 =	sld [smem:$0x3FFB];
	_ =	sdelay $0x3  }
0x92: {  	_ =	strace s18  }
0x93: {  	s3 =	sld [smem:$0x3FFC];
	_ =	sdelay $0x3  }
0x94: {  	_ =	strace s3  }
0x95: {  	s3 =	sld [smem:$0x3FFD];
	_ =	sdelay $0x3  }
0x96: {  	_ =	strace s3  }
0x97: {  	_ =	strace $0x8FFFFFFF  }
0x98: {  	s19 =	sld [smem:$0x3FDB];
	_ =	sdelay $0x1  }
0x99: {  	s4 =	simm.s32 $_scs_section_size  }
0x9a: {  	s5 =	simm.s32 $_size__tile_overlayer_lowered;
	s6 =	simm.s32 $_tile_overlayer_lowered  }
0x9b: {  	s22 =	simm.s32 $0x1BFF;
	s21 =	sshll.u32 s6, $0x1;
	s3 =	sadd.s32 s4, s19  }
0x9c: {  	s7 =	simm.s32 $0x0;
	s20 =	sshll.u32 s5, $0x1;
	s5 =	sadd.s32 s21, s3  }
0x9d: {  	[timem:s7], [sflag:s22] =	dma.local [hbm:s5], s20  }
0x9e: {  	_ =	swait.ge [sflag:s22], s20  }
0x9f: {  	s4 =	ssub.s32 $0x0, s20;
	[sflag:s22] =	ssyncset.done $0x0  }
0xa0: {  	[sflag:s22] =	ssyncadd.s32 s4;
	_ =	sdelay $0x1  }
0xa1: {  	s23 =	simm.s32 $0x1B8B  }
0xa2: {  	_ =	swait.ge [sflag:s23], $0x1  }
0xa3: {  	[sflag:s23] =	ssyncset.done $0x0  }
0xa4: {  	s25 =	simm.s32 $0x1B8E;
	s24 =	sld [smem:$0x3FFE];
	[sflag:s23] =	ssyncadd.s32 $0xFFFFFFFF  }
0xa5: {  	s26 =	simm.s32 $execute0_lowered;
	[smem:$0x3FD2] =	sst s25  }
0xa6: {  	s5 =	sshll.u32 s26, $0x1;
	_ =	strace $0x80000049;
	[dreg:$0x1] =	wrdreg $0xFFFFFFFF  }
0xa7: {  	s28 =	simm.s32 $_size_execute0_lowered;
	s3 =	sadd.s32 s3, s5;
	[dreg:$0x0] =	wrdreg $0x0  }
0xa8: {  	s5 =	sshll.u32 s28, $0x1;
	[dreg:$0x2] =	wrdreg s3  }
0xa9: {  	[dreg:$0x3] =	wrdreg s5  }
0xaa: {  	[dreg:$0x4] =	wrdreg $0xC0  }
0xab: {  	_ =	task [dreg:s7], $0x5FFFF  }
0xac: {  	[dreg:$0x1] =	wrdreg $0xFFFFFFFF  }
0xad: {  	[dreg:$0x0] =	wrdreg $0x60  }
0xae: {  	[dreg:$0x2] =	wrdreg s2  }
0xaf: {  	[dreg:$0x3] =	wrdreg s24  }
0xb0: {  	[dreg:$0x4] =	wrdreg $0x41000  }
0xb1: {  	[dreg:$0x5] =	wrdreg $0x9  }
0xb2: {  	_ =	task.clear_ibuf [dreg:s7], $0x6FFFF;
	_ =	strace $0x90000049  }
0xb3: {  	s29 =	simm.s32 $0x9;
	_ =	strace $0x8000004B  }
0xb4: {  	_ =	swait.ge [sflag:s29], $0x1  }
0xb5: {  	[sflag:s29] =	ssyncadd.s32 $0xFFFFFFFF  }
0xb6: {  	_ =	strace $0x9000004B  }
0xb7: {  	_ =	sfence  }
0xb8: {  	s30 =	sld [smem:$0x0];
	_ =	sdelay $0x2  }
0xb9: {  	s31 =	sshll.u32 s1, $0xD;
	s1 =	sshrl.u32 s1, $0x2  }
0xba: {  	s3 =	sand.u32 $0x4000, s31;
	s1 =	sadd.s32 s1, s30  }
0xbb: {  	s0 =	sor.u32 s3, s0;
	s1 =	sshll.u32 s1, $0x11  }
0xbc: {  	s0 =	sor.u32 s1, s0  }
0xbd: {  	s0 =	sadd.s32 $0x8F2B, s0  }
0xbe: {  	[sflag:s0] =	ssyncadd.remote.s32 $0x1  }
0xbf: {  	_ =	sfence.sel $0xFFFF  }
0xc0: {  	[dreg:$0x0] =	wrdreg $0xFFFFFFFF;
	(pc) =	sbr.abs _section_cstart, $3  }
0xc1: {  	[dreg:$0x1] =	wrdreg $0xFFFFFFFF  }
0xc2: {  	_ =	task.clear_ibuf [dreg:s7], $0x2FFFF;
	_ =	strace $0x9FFFFFFF  }
0xc3: {  	(tm) =	ssettm $0x7FFFFFFF  }
tec
execute0_lowered:
.L_overlay_start_1:
0x0: {  	(tag) =	ssettag $0x1  }
0x1: {  	s10 =	rddreg [dreg:$0x0]  }
0x2: {  	s5 =	rddreg [dreg:$0x1]  }
0x3: {  	s2 =	rddreg [dreg:$0x2]  }
0x4: {  	s0 =	rddreg [dreg:$0x3]  }
0x5: {  	s4 =	srdreg.scid;
	s1 =	stileid.u32;
	s3 =	simm.s32 $0x0  }
0x6: {  	s15 =	simm.s32 $0x1;
	s16 =	simm.s32 $0x0;
	s6 =	sand.u32 $0x1, s4  }
0x7: {  	s8 =	smul.u32 $0x2800, s1;
	[smem:$0x7FF] =	sst s3;
	s4 =	sadd.s32 $0x2200, s5  }
0x8: {  	s11 =	smul.u32 $0x50000, s1;
	s12 =	sadd.s32 $0x2A200, s5;
	p1 =	slt.u32 s1, $0x2  }
0x9: {  	s13 =	sshll.u32 s1, $0x9;
	s31 =	sshll.u32 s1, $0x6;
	s7 =	smul.u32 $0x28000, s6  }
0xa: {  	_ =	strace $0x8000004A;
	s9 =	ssub.s32 $0x2, s6;
	p0 =	seq.s32 s6, $0x0  }
0xb: {  	s14 =	sshll.u32 s6, $0x8;
	s28 =	sshrl.u32 s9, $0x1;
	s29 =	sshrl.u32 s11, $0x2  }
0xc: {  	s30 =	sor.u32 s14, s13;
	s12 =	smov.u32 @p0 s4;
	s13 =	simm.s32 $0x80  }
0xd: {  	s7 =	sadd.s32 s8, s7;
	s9 =	ssub.s32 s9, s28;
	s11 =	sadd.s32 s29, s2  }
0xe: {  	s14 =	sshrl.u32 s30, $0x3;
	s8 =	sadd.s32 s12, s8;
	s12 =	simm.s32 $0x2  }
0xf: {  	s7 =	sadd.s32 s7, s5;
	s5 =	simm.s32 $0x4F;
	s10 =	sadd.s32 s14, s10  }
0x10: {  	s11 =	sshrl.u32 s11, $0x3;
	s14 =	simm.s32 $0x100;
	s5 =	simm.s32 @!p1 $0x4E  }
0x11: {  	s6 =	sadd.s32 $0x52200, s7;
	s7 =	smax.u32 s9, $0x1;
	s9 =	sor.u32 $0x1C02, s31  }
.LBB2_1:
0x12: {  	[spmem:s11], [sflag:s9] =	dma.local [hbm:s8], $0x2800  }
0x13: {  	_ =	swait.ge [sflag:s12], $0x2800  }
0x14: {  	[sflag:s12] =	ssyncset.done $0x0  }
0x15: {  	[sflag:s12] =	ssyncadd.s32 $0xFFFFD800  }
0x16: {  	[bflag:$0x0] =	sbarrier.arrive $0xFFFF  }
0x17: {  	[tilespmem:s3], [sflag:$0x2] =	stream.linear.gather [hbm4b:s10+s3], $0x100, $0x38;
	[tilespmem:$0x18100] =	vst v63  }
0x18: {  	_ =	swait.ge [sflag:s12], $0x100  }
0x19: {  	[sflag:s12] =	ssyncset.done $0x0  }
0x1a: {  	[sflag:s12] =	ssyncadd.s32 $0xFFFFFF00  }
0x1b: {  	[tilespmem:s14], [sflag:$0x1] =	stream.indirect.gather [hbm4b:s4+s13], $0x80, s3, s13, $0xb8;
	[tilespmem:$0x18100] =	vst v63  }
0x1c: {  	p0 =	sne.s32 s5, $0x1;
	_ =	swait.ge [sflag:s15], $0x4000  }
.Ltmp0:
0x1d: {  	[sflag:s15] =	ssyncset.done $0x0;
	(pc) =	sbr.rel @!p0 .LBB2_3-.Ltmp0, $4  }
0x1e: {  	[sflag:s15] =	ssyncadd.s32 $0xFFFFC000  }
0x1f: {  	[spmem:s2] =	stream.indirect.scatter.add.f32 [tilespmem:s14], [sflag:$0x2], $0x80, s13, s13, $0xb8;
	[tilespmem:$0x18100] =	vst v63  }
0x20: {  	_ =	swait.ge [sflag:s12], $0x4000  }
0x21: {  	s17 =	sadd.s32 $0xFFFFFFFF, s5;
	s18 =	smov.u32 s10;
	[sflag:s12] =	ssyncset.done $0x0  }
.LBB2_2:
0x22: {  	p0 =	sne.s32 s17, $0x1;
	[sflag:s12] =	ssyncadd.s32 $0xFFFFC000;
	s18 =	sadd.s32 $0x400, s18  }
0x23: {  	[tilespmem:s3], [sflag:$0x2] =	stream.linear.gather [hbm4b:s18+s3], $0x100, $0x38;
	[tilespmem:$0x18100] =	vst v63  }
0x24: {  	s17 =	sadd.s32 $0xFFFFFFFF, s17;
	_ =	swait.ge [sflag:s12], $0x100  }
0x25: {  	[sflag:s12] =	ssyncset.done $0x0  }
0x26: {  	[sflag:s12] =	ssyncadd.s32 $0xFFFFFF00  }
0x27: {  	[tilespmem:s14], [sflag:$0x1] =	stream.indirect.gather [hbm4b:s4+s13], $0x80, s3, s13, $0xb8;
	[tilespmem:$0x18100] =	vst v63  }
0x28: {  	_ =	swait.ge [sflag:s15], $0x4000  }
.Ltmp1:
0x29: {  	[sflag:s15] =	ssyncset.done $0x0;
	(pc) =	sbr.rel @p0 .LBB2_2-.Ltmp1, $4  }
0x2a: {  	[sflag:s15] =	ssyncadd.s32 $0xFFFFC000  }
0x2b: {  	[spmem:s2] =	stream.indirect.scatter.add.f32 [tilespmem:s14], [sflag:$0x2], $0x80, s13, s13, $0xb8;
	[tilespmem:$0x18100] =	vst v63  }
0x2c: {  	_ =	swait.ge [sflag:s12], $0x4000  }
0x2d: {  	[sflag:s12] =	ssyncset.done $0x0  }
.LBB2_3:
0x2e: {  	s16 =	sadd.s32 $0x1, s16  }
0x2f: {  	[sflag:s12] =	ssyncadd.s32 $0xFFFFC000;
	p0 =	sne.s32 s16, s7  }
.Ltmp2:
0x30: {  	[bflag:$0x0] =	sbarrier.arrive $0xFFFF;
	(pc) =	sbr.rel @p0 .LBB2_1-.Ltmp2, $4  }
0x31: {  	[hbm:s6], [sflag:s9] =	dma.local [spmem:s11], $0x2800  }
0x32: {  	_ =	swait.ge [sflag:s12], $0x2800  }
0x33: {  	[sflag:s12] =	ssyncset.done $0x0  }
0x34: {  	[sflag:s12] =	ssyncadd.s32 $0xFFFFD800  }
0x35: {  	_ =	sfence.sel $0x180000  }
0x36: {  	[bflag:$0x0] =	sbarrier.arrive $0xFFFF  }
0x37: {  	p0 =	sne.s32 s1, $0x0;
	_ =	strace $0x9000004A  }
0x38: {  	s0 =	sadd.s32 @!p0 $0x100000, s0;
	[bflag:$0x2] =	sbarrier.arrive $0xFFFF  }
0x39: {  	[sflag:s0] =	ssyncadd.tile.s32 @!p0 $0x1;
	_ =	shalt  }
.Lfunc_end2:
_tile_overlayer_lowered:
.L_overlay_start_2:
0x3a: {  	(tag) =	ssettag $0x2  }
0x3b: {  	s0 =	rddreg [dreg:$0x0];
	s2 =	stileid.u32  }
0x3c: {  	s1 =	rddreg [dreg:$0x1];
	p0 =	sne.s32 s2, $0x0  }
0x3d: {  	s3 =	rddreg [dreg:$0x2];
	[bflag:$0x3] =	sbarrier.arrive $0xFFFF;
	s2 =	simm.s32 @!p0 $0x1C02  }
0x3e: {  	[timem:s3], [sflag:s2] =	dma.local @!p0 [hbm:s0], s1  }
0x3f: {  	s0 =	simm.s32 @!p0 $0x2  }
0x40: {  	_ =	swait.ge @!p0 [sflag:s0], s1  }
0x41: {  	s1 =	ssub.s32 @!p0 $0x0, s1;
	[sflag:s0] =	ssyncset.done @!p0 $0x0  }
0x42: {  	[sflag:s0] =	ssyncadd.s32 @!p0 s1  }
0x43: {  	[bflag:$0x3] =	sbarrier.arrive $0xFFFF  }
0x44: {  	_ =	shalt  }

// kernel: kernel.14.cloned.1.call-start
scs
__scs_entry_jumppad:
0x0: {  	(pc) =	sbr.rel $0x88, $3  }
0x1: {  	(tag) =	ssettag $0x0;
	lr =	simm.s32 $0x1  }
0x2: {  	[smem:$0x3F98] =	sst lr;
	_ =	strace $0xD0000000  }
0x3: {  	_ = 	snop  }
0x4: {  	_ = 	snop  }
0x5: {  	_ = 	snop  }
0x6: {  	_ = 	snop  }
0x7: {  	_ = 	snop  }
__scs_overlays_trampoline_lowered:
0x8: {  	[smem:$0x3FA7] =	sst s0  }
0x9: {  	[smem:$0x3FA8] =	sst s1  }
0xa: {  	[smem:$0x3FA9] =	sst s2  }
0xb: {  	[smem:$0x3FAA] =	sst s3  }
0xc: {  	[smem:$0x3FAB] =	sst s4  }
0xd: {  	[smem:$0x3FAC] =	sst s5  }
0xe: {  	[smem:$0x3FAD] =	sst s6  }
0xf: {  	[smem:$0x3FAE] =	sst s7  }
0x10: {  	[smem:$0x3FAF] =	sst s8  }
0x11: {  	[smem:$0x3FB0] =	sst s9;
	s0 =	simm.s32 @!p0 $0x0  }
0x12: {  	s1 =	sld [smem:$0x3F96];
	s0 =	simm.s32 @p0 $0x1  }
0x13: {  	[smem:$0x3FB1] =	sst s0;
	s0 =	simm.s32 @!p1 $0x0  }
0x14: {  	s2 =	sld [smem:$0x3F95];
	s0 =	simm.s32 @p1 $0x1  }
0x15: {  	[smem:$0x3FB2] =	sst s0;
	s0 =	simm.s32 @!p2 $0x0  }
0x16: {  	s3 =	sld [smem:$0x3FDB];
	s0 =	simm.s32 @p2 $0x1  }
0x17: {  	s4 =	simm.s32 $0x1BF5;
	[smem:$0x3FB4] =	sst s0  }
0x18: {  	s0 =	sld [smem:$0x3F97];
	_ =	swait.ge [sflag:s4], $0x0  }
0x19: {  	s7 =	sld [smem:$0x3F98]  }
0x1a: {  	s8 =	sadd.s32 $0xFFFFE003, lr  }
0x1b: {  	s9 =	sadd.s32 $0xFFFFFEF7, lr;
	s5 =	simm.s32 $0xFFFFFFFF;
	p2 =	slt.u32 s8, $0xFFFFF086  }
0x1c: {  	p1 =	slt.u32 s9, $0xF7A;
	s5 =	simm.s32 @!p2 $0x0  }
0x1d: {  	s5 =	simm.s32 @p1 $0x1;
	p0 =	seq.s32 s7, s2  }
0x1e: {  	s7 =	smul.u32 @!p0 $0xF7A, s2;
	p2 =	seq.s32 @!p0 s5, $0x0  }
0x1f: {  	s9 =	smul.u32 $0xF7A, s1;
	s8 =	simm.s32 @!p0 $0x1BF5;
	p2 =	por !p2, p0  }
0x20: {  	[sflag:s8] =	ssyncset.s32 @!p0 $0xFFFFF086;
	s6 =	sadd.s32 @!p0 s3, s7;
	s7 =	simm.s32 @!p0 $0x108  }
0x21: {  	s3 =	sadd.s32 s3, s9;
	s6 =	sadd.s32 @!p0 $0x88, s6;
	s7 =	simm.s32 @p2 $0x1082  }
0x22: {  	[simem:s7], [sflag:s8] =	dma.local @!p0 [hbm:s6], $0xF7A  }
0x23: {  	s9 =	sor.u32 $0xD0000000, s2;
	s6 =	simm.s32 $0x108;
	_ =	swait.ge @!p0 [sflag:s8], $0x0  }
0x24: {  	s3 =	sadd.s32 $0x88, s3;
	s6 =	simm.s32 @!p1 $0x1082;
	[sflag:s4] =	ssyncset.s32 $0xFFFFF086  }
0x25: {  	[simem:s6], [sflag:s4] =	dma.local [hbm:s3], $0xF7A  }
0x26: {  	[smem:$0x3F98] =	sst s1;
	(tag) =	ssettag s2;
	_ =	strace s9  }
0x27: {  	s1 =	sld [smem:$0x3FA8]  }
0x28: {  	s2 =	sld [smem:$0x3FA9]  }
0x29: {  	s4 =	sld [smem:$0x3FAB]  }
0x2a: {  	p0 =	seq.s32 s5, $0x0;
	s5 =	sld [smem:$0x3FAC]  }
0x2b: {  	s6 =	sld [smem:$0x3FAD]  }
0x2c: {  	s7 =	sld [smem:$0x3FAE]  }
0x2d: {  	s3 =	simm.s32 $0x108;
	s8 =	sld [smem:$0x3FAF]  }
0x2e: {  	s3 =	simm.s32 @!p0 $0x1082;
	s9 =	sld [smem:$0x3FB0]  }
0x2f: {  	lr =	sadd.s32 s0, s3;
	s0 =	sld [smem:$0x3FA7]  }
0x30: {  	s3 =	sld [smem:$0x3FAA]  }
0x31: {  	[smem:$0x3FB3] =	sst s10  }
0x32: {  	s10 =	sld [smem:$0x3FB1];
	_ =	sdelay $0x3  }
0x33: {  	p0 =	seq.s32 s10, $0x1;
	s10 =	sld [smem:$0x3FB3];
	_ =	sdelay $0x3  }
0x34: {  	[smem:$0x3FB3] =	sst s10  }
0x35: {  	s10 =	sld [smem:$0x3FB2];
	_ =	sdelay $0x3  }
0x36: {  	p1 =	seq.s32 s10, $0x1;
	s10 =	sld [smem:$0x3FB3];
	_ =	sdelay $0x3  }
0x37: {  	[smem:$0x3FB3] =	sst s10  }
0x38: {  	s10 =	sld [smem:$0x3FB4]  }
0x39: {  	_ = 	snop;
	(pc) =	sbr.ind lr, $3  }
0x3a: {  	_ = 	snop  }
0x3b: {  	_ = 	snop  }
0x3c: {  	p2 =	seq.s32 s10, $0x1;
	s10 =	sld [smem:$0x3FB3]  }
0x3d: {  	_ =	shalt  }
0x3e: {  	_ =	shalt  }
0x3f: {  	_ =	shalt  }
0x40: {  	_ =	shalt  }
0x41: {  	_ =	shalt  }
0x42: {  	_ =	shalt  }
0x43: {  	_ =	shalt  }
0x44: {  	_ =	shalt  }
0x45: {  	_ =	shalt  }
0x46: {  	_ =	shalt  }
0x47: {  	_ =	shalt  }
0x48: {  	_ =	shalt  }
0x49: {  	_ =	shalt  }
0x4a: {  	_ =	shalt  }
0x4b: {  	_ =	shalt  }
0x4c: {  	_ =	shalt  }
0x4d: {  	_ =	shalt  }
0x4e: {  	_ =	shalt  }
0x4f: {  	_ =	shalt  }
0x50: {  	_ =	shalt  }
0x51: {  	_ =	shalt  }
0x52: {  	_ =	shalt  }
0x53: {  	_ =	shalt  }
0x54: {  	_ =	shalt  }
0x55: {  	_ =	shalt  }
0x56: {  	_ =	shalt  }
0x57: {  	_ =	shalt  }
0x58: {  	_ =	shalt  }
0x59: {  	_ =	shalt  }
0x5a: {  	_ =	shalt  }
0x5b: {  	_ =	shalt  }
0x5c: {  	_ =	shalt  }
0x5d: {  	_ =	shalt  }
0x5e: {  	_ =	shalt  }
0x5f: {  	_ =	shalt  }
0x60: {  	_ =	shalt  }
0x61: {  	_ =	shalt  }
0x62: {  	_ =	shalt  }
0x63: {  	_ =	shalt  }
0x64: {  	_ =	shalt  }
0x65: {  	_ =	shalt  }
0x66: {  	_ =	shalt  }
0x67: {  	_ =	shalt  }
0x68: {  	_ =	shalt  }
0x69: {  	_ =	shalt  }
0x6a: {  	_ =	shalt  }
0x6b: {  	_ =	shalt  }
0x6c: {  	_ =	shalt  }
0x6d: {  	_ =	shalt  }
0x6e: {  	_ =	shalt  }
0x6f: {  	_ =	shalt  }
0x70: {  	_ =	shalt  }
0x71: {  	_ =	shalt  }
0x72: {  	_ =	shalt  }
0x73: {  	_ =	shalt  }
0x74: {  	_ =	shalt  }
0x75: {  	_ =	shalt  }
0x76: {  	_ =	shalt  }
0x77: {  	_ =	shalt  }
0x78: {  	_ =	shalt  }
0x79: {  	_ =	shalt  }
0x7a: {  	_ =	shalt  }
0x7b: {  	_ =	shalt  }
0x7c: {  	_ =	shalt  }
0x7d: {  	_ =	shalt  }
0x7e: {  	_ =	shalt  }
0x7f: {  	_ =	shalt  }
0x80: {  	_ =	shalt  }
0x81: {  	_ =	shalt  }
0x82: {  	_ =	shalt  }
0x83: {  	_ =	shalt  }
0x84: {  	_ =	shalt  }
0x85: {  	_ =	shalt  }
0x86: {  	_ =	shalt  }
0x87: {  	_ =	shalt  }
.Lfunc_end0:
.L_simem_size_0:
called_computation.2_lowered:
.L_overlay_start_0:
0x88: {  	s2 =	sld [smem:$0x3FD9]  }
0x89: {  	s3 =	sld [smem:$0x3FFE];
	_ =	sdelay $0x1  }
0x8a: {  	s1 =	srdreg.scid  }
0x8b: {  	s0 =	sand.u32 $0x1, s1  }
0x8c: {  	s17 =	sshll.u32 s0, $0xA;
	s2 =	sadd.s32 s3, s2  }
0x8d: {  	s2 =	sadd.s32 s2, s17  }
0x8e: {  	[smem:$0x3FBF] =	sst s2  }
0x8f: {  	_ = 	snop  }
0x90: {  	s2 =	sld [smem:$0x3FC8];
	(tm) =	ssettm $0x1  }
0x91: {  	s18 =	sld [smem:$0x3FFB];
	_ =	sdelay $0x3  }
0x92: {  	_ =	strace s18  }
0x93: {  	s3 =	sld [smem:$0x3FFC];
	_ =	sdelay $0x3  }
0x94: {  	_ =	strace s3  }
0x95: {  	s3 =	sld [smem:$0x3FFD];
	_ =	sdelay $0x3  }
0x96: {  	_ =	strace s3  }
0x97: {  	_ =	strace $0x8FFFFFFF  }
0x98: {  	s19 =	sld [smem:$0x3FDB];
	_ =	sdelay $0x1  }
0x99: {  	s4 =	simm.s32 $_scs_section_size  }
0x9a: {  	s5 =	simm.s32 $_size__tile_overlayer_lowered;
	s6 =	simm.s32 $_tile_overlayer_lowered  }
0x9b: {  	s22 =	simm.s32 $0x1BFF;
	s21 =	sshll.u32 s6, $0x1;
	s3 =	sadd.s32 s4, s19  }
0x9c: {  	s7 =	simm.s32 $0x0;
	s20 =	sshll.u32 s5, $0x1;
	s5 =	sadd.s32 s21, s3  }
0x9d: {  	[timem:s7], [sflag:s22] =	dma.local [hbm:s5], s20  }
0x9e: {  	_ =	swait.ge [sflag:s22], s20  }
0x9f: {  	s4 =	ssub.s32 $0x0, s20;
	[sflag:s22] =	ssyncset.done $0x0  }
0xa0: {  	[sflag:s22] =	ssyncadd.s32 s4;
	_ =	sdelay $0x1  }
0xa1: {  	s23 =	simm.s32 $0x1B8B  }
0xa2: {  	_ =	swait.ge [sflag:s23], $0x1  }
0xa3: {  	[sflag:s23] =	ssyncset.done $0x0  }
0xa4: {  	s25 =	simm.s32 $0x1B8E;
	s24 =	sld [smem:$0x3FFE];
	[sflag:s23] =	ssyncadd.s32 $0xFFFFFFFF  }
0xa5: {  	s26 =	simm.s32 $execute0_lowered;
	[smem:$0x3FD2] =	sst s25  }
0xa6: {  	s5 =	sshll.u32 s26, $0x1;
	_ =	strace $0x8000004C;
	[dreg:$0x1] =	wrdreg $0xFFFFFFFF  }
0xa7: {  	s28 =	simm.s32 $_size_execute0_lowered;
	s3 =	sadd.s32 s3, s5;
	[dreg:$0x0] =	wrdreg $0x0  }
0xa8: {  	s5 =	sshll.u32 s28, $0x1;
	[dreg:$0x2] =	wrdreg s3  }
0xa9: {  	[dreg:$0x3] =	wrdreg s5  }
0xaa: {  	[dreg:$0x4] =	wrdreg $0xC0  }
0xab: {  	_ =	task [dreg:s7], $0x5FFFF  }
0xac: {  	[dreg:$0x1] =	wrdreg $0xFFFFFFFF  }
0xad: {  	[dreg:$0x0] =	wrdreg $0x60  }
0xae: {  	[dreg:$0x2] =	wrdreg s2  }
0xaf: {  	[dreg:$0x3] =	wrdreg s24  }
0xb0: {  	[dreg:$0x4] =	wrdreg $0x41000  }
0xb1: {  	[dreg:$0x5] =	wrdreg $0x9  }
0xb2: {  	_ =	task.clear_ibuf [dreg:s7], $0x6FFFF;
	_ =	strace $0x9000004C  }
0xb3: {  	s29 =	simm.s32 $0x9;
	_ =	strace $0x8000004E  }
0xb4: {  	_ =	swait.ge [sflag:s29], $0x1  }
0xb5: {  	[sflag:s29] =	ssyncadd.s32 $0xFFFFFFFF  }
0xb6: {  	_ =	strace $0x9000004E  }
0xb7: {  	_ =	sfence  }
0xb8: {  	s30 =	sld [smem:$0x0];
	_ =	sdelay $0x2  }
0xb9: {  	s31 =	sshll.u32 s1, $0xD;
	s1 =	sshrl.u32 s1, $0x2  }
0xba: {  	s3 =	sand.u32 $0x4000, s31;
	s1 =	sadd.s32 s1, s30  }
0xbb: {  	s0 =	sor.u32 s3, s0;
	s1 =	sshll.u32 s1, $0x11  }
0xbc: {  	s0 =	sor.u32 s1, s0  }
0xbd: {  	s0 =	sadd.s32 $0x8F2B, s0  }
0xbe: {  	[sflag:s0] =	ssyncadd.remote.s32 $0x1  }
0xbf: {  	_ =	sfence.sel $0xFFFF  }
0xc0: {  	[dreg:$0x0] =	wrdreg $0xFFFFFFFF;
	(pc) =	sbr.abs _section_cstart, $3  }
0xc1: {  	[dreg:$0x1] =	wrdreg $0xFFFFFFFF  }
0xc2: {  	_ =	task.clear_ibuf [dreg:s7], $0x2FFFF;
	_ =	strace $0x9FFFFFFF  }
0xc3: {  	(tm) =	ssettm $0x7FFFFFFF  }
tec
execute0_lowered:
.L_overlay_start_1:
0x0: {  	(tag) =	ssettag $0x1  }
0x1: {  	s10 =	rddreg [dreg:$0x0]  }
0x2: {  	s5 =	rddreg [dreg:$0x1]  }
0x3: {  	s2 =	rddreg [dreg:$0x2]  }
0x4: {  	s0 =	rddreg [dreg:$0x3]  }
0x5: {  	s4 =	srdreg.scid;
	s1 =	stileid.u32;
	s3 =	simm.s32 $0x0  }
0x6: {  	s15 =	simm.s32 $0x1;
	s16 =	simm.s32 $0x0;
	s6 =	sand.u32 $0x1, s4  }
0x7: {  	s8 =	smul.u32 $0x2800, s1;
	[smem:$0x7FF] =	sst s3;
	s4 =	sadd.s32 $0x2200, s5  }
0x8: {  	s11 =	smul.u32 $0x50000, s1;
	s12 =	sadd.s32 $0x2A200, s5;
	p1 =	slt.u32 s1, $0x2  }
0x9: {  	s13 =	sshll.u32 s1, $0x9;
	s31 =	sshll.u32 s1, $0x6;
	s7 =	smul.u32 $0x28000, s6  }
0xa: {  	_ =	strace $0x8000004D;
	s9 =	ssub.s32 $0x2, s6;
	p0 =	seq.s32 s6, $0x0  }
0xb: {  	s14 =	sshll.u32 s6, $0x8;
	s28 =	sshrl.u32 s9, $0x1;
	s29 =	sshrl.u32 s11, $0x2  }
0xc: {  	s30 =	sor.u32 s14, s13;
	s12 =	smov.u32 @p0 s4;
	s13 =	simm.s32 $0x80  }
0xd: {  	s7 =	sadd.s32 s8, s7;
	s9 =	ssub.s32 s9, s28;
	s11 =	sadd.s32 s29, s2  }
0xe: {  	s14 =	sshrl.u32 s30, $0x3;
	s8 =	sadd.s32 s12, s8;
	s12 =	simm.s32 $0x2  }
0xf: {  	s7 =	sadd.s32 s7, s5;
	s5 =	simm.s32 $0x4F;
	s10 =	sadd.s32 s14, s10  }
0x10: {  	s11 =	sshrl.u32 s11, $0x3;
	s14 =	simm.s32 $0x100;
	s5 =	simm.s32 @!p1 $0x4E  }
0x11: {  	s6 =	sadd.s32 $0x52200, s7;
	s7 =	smax.u32 s9, $0x1;
	s9 =	sor.u32 $0x1C02, s31  }
.LBB2_1:
0x12: {  	[spmem:s11], [sflag:s9] =	dma.local [hbm:s8], $0x2800  }
0x13: {  	_ =	swait.ge [sflag:s12], $0x2800  }
0x14: {  	[sflag:s12] =	ssyncset.done $0x0  }
0x15: {  	[sflag:s12] =	ssyncadd.s32 $0xFFFFD800  }
0x16: {  	[bflag:$0x0] =	sbarrier.arrive $0xFFFF  }
0x17: {  	[tilespmem:s3], [sflag:$0x2] =	stream.linear.gather [hbm4b:s10+s3], $0x100, $0x38;
	[tilespmem:$0x18100] =	vst v63  }
0x18: {  	_ =	swait.ge [sflag:s12], $0x100  }
0x19: {  	[sflag:s12] =	ssyncset.done $0x0  }
0x1a: {  	[sflag:s12] =	ssyncadd.s32 $0xFFFFFF00  }
0x1b: {  	[tilespmem:s14], [sflag:$0x1] =	stream.indirect.gather [hbm4b:s4+s13], $0x80, s3, s13, $0xb8;
	[tilespmem:$0x18100] =	vst v63  }
0x1c: {  	p0 =	sne.s32 s5, $0x1;
	_ =	swait.ge [sflag:s15], $0x4000  }
.Ltmp0:
0x1d: {  	[sflag:s15] =	ssyncset.done $0x0;
	(pc) =	sbr.rel @!p0 .LBB2_3-.Ltmp0, $4  }
0x1e: {  	[sflag:s15] =	ssyncadd.s32 $0xFFFFC000  }
0x1f: {  	[spmem:s2] =	stream.indirect.scatter.add.f32 [tilespmem:s14], [sflag:$0x2], $0x80, s13, s13, $0xb8;
	[tilespmem:$0x18100] =	vst v63  }
0x20: {  	_ =	swait.ge [sflag:s12], $0x4000  }
0x21: {  	s17 =	sadd.s32 $0xFFFFFFFF, s5;
	s18 =	smov.u32 s10;
	[sflag:s12] =	ssyncset.done $0x0  }
.LBB2_2:
0x22: {  	p0 =	sne.s32 s17, $0x1;
	[sflag:s12] =	ssyncadd.s32 $0xFFFFC000;
	s18 =	sadd.s32 $0x400, s18  }
0x23: {  	[tilespmem:s3], [sflag:$0x2] =	stream.linear.gather [hbm4b:s18+s3], $0x100, $0x38;
	[tilespmem:$0x18100] =	vst v63  }
0x24: {  	s17 =	sadd.s32 $0xFFFFFFFF, s17;
	_ =	swait.ge [sflag:s12], $0x100  }
0x25: {  	[sflag:s12] =	ssyncset.done $0x0  }
0x26: {  	[sflag:s12] =	ssyncadd.s32 $0xFFFFFF00  }
0x27: {  	[tilespmem:s14], [sflag:$0x1] =	stream.indirect.gather [hbm4b:s4+s13], $0x80, s3, s13, $0xb8;
	[tilespmem:$0x18100] =	vst v63  }
0x28: {  	_ =	swait.ge [sflag:s15], $0x4000  }
.Ltmp1:
0x29: {  	[sflag:s15] =	ssyncset.done $0x0;
	(pc) =	sbr.rel @p0 .LBB2_2-.Ltmp1, $4  }
0x2a: {  	[sflag:s15] =	ssyncadd.s32 $0xFFFFC000  }
0x2b: {  	[spmem:s2] =	stream.indirect.scatter.add.f32 [tilespmem:s14], [sflag:$0x2], $0x80, s13, s13, $0xb8;
	[tilespmem:$0x18100] =	vst v63  }
0x2c: {  	_ =	swait.ge [sflag:s12], $0x4000  }
0x2d: {  	[sflag:s12] =	ssyncset.done $0x0  }
.LBB2_3:
0x2e: {  	s16 =	sadd.s32 $0x1, s16  }
0x2f: {  	[sflag:s12] =	ssyncadd.s32 $0xFFFFC000;
	p0 =	sne.s32 s16, s7  }
.Ltmp2:
0x30: {  	[bflag:$0x0] =	sbarrier.arrive $0xFFFF;
	(pc) =	sbr.rel @p0 .LBB2_1-.Ltmp2, $4  }
0x31: {  	[hbm:s6], [sflag:s9] =	dma.local [spmem:s11], $0x2800  }
0x32: {  	_ =	swait.ge [sflag:s12], $0x2800  }
0x33: {  	[sflag:s12] =	ssyncset.done $0x0  }
0x34: {  	[sflag:s12] =	ssyncadd.s32 $0xFFFFD800  }
0x35: {  	_ =	sfence.sel $0x180000  }
0x36: {  	[bflag:$0x0] =	sbarrier.arrive $0xFFFF  }
0x37: {  	p0 =	sne.s32 s1, $0x0;
	_ =	strace $0x9000004D  }
0x38: {  	s0 =	sadd.s32 @!p0 $0x100000, s0;
	[bflag:$0x2] =	sbarrier.arrive $0xFFFF  }
0x39: {  	[sflag:s0] =	ssyncadd.tile.s32 @!p0 $0x1;
	_ =	shalt  }
.Lfunc_end2:
_tile_overlayer_lowered:
.L_overlay_start_2:
0x3a: {  	(tag) =	ssettag $0x2  }
0x3b: {  	s0 =	rddreg [dreg:$0x0];
	s2 =	stileid.u32  }
0x3c: {  	s1 =	rddreg [dreg:$0x1];
	p0 =	sne.s32 s2, $0x0  }
0x3d: {  	s3 =	rddreg [dreg:$0x2];
	[bflag:$0x3] =	sbarrier.arrive $0xFFFF;
	s2 =	simm.s32 @!p0 $0x1C02  }
0x3e: {  	[timem:s3], [sflag:s2] =	dma.local @!p0 [hbm:s0], s1  }
0x3f: {  	s0 =	simm.s32 @!p0 $0x2  }
0x40: {  	_ =	swait.ge @!p0 [sflag:s0], s1  }
0x41: {  	s1 =	ssub.s32 @!p0 $0x0, s1;
	[sflag:s0] =	ssyncset.done @!p0 $0x0  }
0x42: {  	[sflag:s0] =	ssyncadd.s32 @!p0 s1  }
0x43: {  	[bflag:$0x3] =	sbarrier.arrive $0xFFFF  }
0x44: {  	_ =	shalt  }

// kernel: kernel.8.cloned.1.call-start
scs
__scs_entry_jumppad:
0x0: {  	(pc) =	sbr.rel $0x88, $3  }
0x1: {  	(tag) =	ssettag $0x0;
	lr =	simm.s32 $0x1  }
0x2: {  	[smem:$0x3F98] =	sst lr;
	_ =	strace $0xD0000000  }
0x3: {  	_ = 	snop  }
0x4: {  	_ = 	snop  }
0x5: {  	_ = 	snop  }
0x6: {  	_ = 	snop  }
0x7: {  	_ = 	snop  }
__scs_overlays_trampoline_lowered:
0x8: {  	[smem:$0x3FA7] =	sst s0  }
0x9: {  	[smem:$0x3FA8] =	sst s1  }
0xa: {  	[smem:$0x3FA9] =	sst s2  }
0xb: {  	[smem:$0x3FAA] =	sst s3  }
0xc: {  	[smem:$0x3FAB] =	sst s4  }
0xd: {  	[smem:$0x3FAC] =	sst s5  }
0xe: {  	[smem:$0x3FAD] =	sst s6  }
0xf: {  	[smem:$0x3FAE] =	sst s7  }
0x10: {  	[smem:$0x3FAF] =	sst s8  }
0x11: {  	[smem:$0x3FB0] =	sst s9;
	s0 =	simm.s32 @!p0 $0x0  }
0x12: {  	s1 =	sld [smem:$0x3F96];
	s0 =	simm.s32 @p0 $0x1  }
0x13: {  	[smem:$0x3FB1] =	sst s0;
	s0 =	simm.s32 @!p1 $0x0  }
0x14: {  	s2 =	sld [smem:$0x3F95];
	s0 =	simm.s32 @p1 $0x1  }
0x15: {  	[smem:$0x3FB2] =	sst s0;
	s0 =	simm.s32 @!p2 $0x0  }
0x16: {  	s3 =	sld [smem:$0x3FDB];
	s0 =	simm.s32 @p2 $0x1  }
0x17: {  	s4 =	simm.s32 $0x1BF5;
	[smem:$0x3FB4] =	sst s0  }
0x18: {  	s0 =	sld [smem:$0x3F97];
	_ =	swait.ge [sflag:s4], $0x0  }
0x19: {  	s7 =	sld [smem:$0x3F98]  }
0x1a: {  	s8 =	sadd.s32 $0xFFFFE003, lr  }
0x1b: {  	s9 =	sadd.s32 $0xFFFFFEF7, lr;
	s5 =	simm.s32 $0xFFFFFFFF;
	p2 =	slt.u32 s8, $0xFFFFF086  }
0x1c: {  	p1 =	slt.u32 s9, $0xF7A;
	s5 =	simm.s32 @!p2 $0x0  }
0x1d: {  	s5 =	simm.s32 @p1 $0x1;
	p0 =	seq.s32 s7, s2  }
0x1e: {  	s7 =	smul.u32 @!p0 $0xF7A, s2;
	p2 =	seq.s32 @!p0 s5, $0x0  }
0x1f: {  	s9 =	smul.u32 $0xF7A, s1;
	s8 =	simm.s32 @!p0 $0x1BF5;
	p2 =	por !p2, p0  }
0x20: {  	[sflag:s8] =	ssyncset.s32 @!p0 $0xFFFFF086;
	s6 =	sadd.s32 @!p0 s3, s7;
	s7 =	simm.s32 @!p0 $0x108  }
0x21: {  	s3 =	sadd.s32 s3, s9;
	s6 =	sadd.s32 @!p0 $0x88, s6;
	s7 =	simm.s32 @p2 $0x1082  }
0x22: {  	[simem:s7], [sflag:s8] =	dma.local @!p0 [hbm:s6], $0xF7A  }
0x23: {  	s9 =	sor.u32 $0xD0000000, s2;
	s6 =	simm.s32 $0x108;
	_ =	swait.ge @!p0 [sflag:s8], $0x0  }
0x24: {  	s3 =	sadd.s32 $0x88, s3;
	s6 =	simm.s32 @!p1 $0x1082;
	[sflag:s4] =	ssyncset.s32 $0xFFFFF086  }
0x25: {  	[simem:s6], [sflag:s4] =	dma.local [hbm:s3], $0xF7A  }
0x26: {  	[smem:$0x3F98] =	sst s1;
	(tag) =	ssettag s2;
	_ =	strace s9  }
0x27: {  	s1 =	sld [smem:$0x3FA8]  }
0x28: {  	s2 =	sld [smem:$0x3FA9]  }
0x29: {  	s4 =	sld [smem:$0x3FAB]  }
0x2a: {  	p0 =	seq.s32 s5, $0x0;
	s5 =	sld [smem:$0x3FAC]  }
0x2b: {  	s6 =	sld [smem:$0x3FAD]  }
0x2c: {  	s7 =	sld [smem:$0x3FAE]  }
0x2d: {  	s3 =	simm.s32 $0x108;
	s8 =	sld [smem:$0x3FAF]  }
0x2e: {  	s3 =	simm.s32 @!p0 $0x1082;
	s9 =	sld [smem:$0x3FB0]  }
0x2f: {  	lr =	sadd.s32 s0, s3;
	s0 =	sld [smem:$0x3FA7]  }
0x30: {  	s3 =	sld [smem:$0x3FAA]  }
0x31: {  	[smem:$0x3FB3] =	sst s10  }
0x32: {  	s10 =	sld [smem:$0x3FB1];
	_ =	sdelay $0x3  }
0x33: {  	p0 =	seq.s32 s10, $0x1;
	s10 =	sld [smem:$0x3FB3];
	_ =	sdelay $0x3  }
0x34: {  	[smem:$0x3FB3] =	sst s10  }
0x35: {  	s10 =	sld [smem:$0x3FB2];
	_ =	sdelay $0x3  }
0x36: {  	p1 =	seq.s32 s10, $0x1;
	s10 =	sld [smem:$0x3FB3];
	_ =	sdelay $0x3  }
0x37: {  	[smem:$0x3FB3] =	sst s10  }
0x38: {  	s10 =	sld [smem:$0x3FB4]  }
0x39: {  	_ = 	snop;
	(pc) =	sbr.ind lr, $3  }
0x3a: {  	_ = 	snop  }
0x3b: {  	_ = 	snop  }
0x3c: {  	p2 =	seq.s32 s10, $0x1;
	s10 =	sld [smem:$0x3FB3]  }
0x3d: {  	_ =	shalt  }
0x3e: {  	_ =	shalt  }
0x3f: {  	_ =	shalt  }
0x40: {  	_ =	shalt  }
0x41: {  	_ =	shalt  }
0x42: {  	_ =	shalt  }
0x43: {  	_ =	shalt  }
0x44: {  	_ =	shalt  }
0x45: {  	_ =	shalt  }
0x46: {  	_ =	shalt  }
0x47: {  	_ =	shalt  }
0x48: {  	_ =	shalt  }
0x49: {  	_ =	shalt  }
0x4a: {  	_ =	shalt  }
0x4b: {  	_ =	shalt  }
0x4c: {  	_ =	shalt  }
0x4d: {  	_ =	shalt  }
0x4e: {  	_ =	shalt  }
0x4f: {  	_ =	shalt  }
0x50: {  	_ =	shalt  }
0x51: {  	_ =	shalt  }
0x52: {  	_ =	shalt  }
0x53: {  	_ =	shalt  }
0x54: {  	_ =	shalt  }
0x55: {  	_ =	shalt  }
0x56: {  	_ =	shalt  }
0x57: {  	_ =	shalt  }
0x58: {  	_ =	shalt  }
0x59: {  	_ =	shalt  }
0x5a: {  	_ =	shalt  }
0x5b: {  	_ =	shalt  }
0x5c: {  	_ =	shalt  }
0x5d: {  	_ =	shalt  }
0x5e: {  	_ =	shalt  }
0x5f: {  	_ =	shalt  }
0x60: {  	_ =	shalt  }
0x61: {  	_ =	shalt  }
0x62: {  	_ =	shalt  }
0x63: {  	_ =	shalt  }
0x64: {  	_ =	shalt  }
0x65: {  	_ =	shalt  }
0x66: {  	_ =	shalt  }
0x67: {  	_ =	shalt  }
0x68: {  	_ =	shalt  }
0x69: {  	_ =	shalt  }
0x6a: {  	_ =	shalt  }
0x6b: {  	_ =	shalt  }
0x6c: {  	_ =	shalt  }
0x6d: {  	_ =	shalt  }
0x6e: {  	_ =	shalt  }
0x6f: {  	_ =	shalt  }
0x70: {  	_ =	shalt  }
0x71: {  	_ =	shalt  }
0x72: {  	_ =	shalt  }
0x73: {  	_ =	shalt  }
0x74: {  	_ =	shalt  }
0x75: {  	_ =	shalt  }
0x76: {  	_ =	shalt  }
0x77: {  	_ =	shalt  }
0x78: {  	_ =	shalt  }
0x79: {  	_ =	shalt  }
0x7a: {  	_ =	shalt  }
0x7b: {  	_ =	shalt  }
0x7c: {  	_ =	shalt  }
0x7d: {  	_ =	shalt  }
0x7e: {  	_ =	shalt  }
0x7f: {  	_ =	shalt  }
0x80: {  	_ =	shalt  }
0x81: {  	_ =	shalt  }
0x82: {  	_ =	shalt  }
0x83: {  	_ =	shalt  }
0x84: {  	_ =	shalt  }
0x85: {  	_ =	shalt  }
0x86: {  	_ =	shalt  }
0x87: {  	_ =	shalt  }
.Lfunc_end0:
.L_simem_size_0:
called_computation_lowered:
.L_overlay_start_0:
0x88: {  	s2 =	sld [smem:$0x3FD9]  }
0x89: {  	s3 =	sld [smem:$0x3FFE];
	_ =	sdelay $0x1  }
0x8a: {  	s1 =	srdreg.scid  }
0x8b: {  	s0 =	sand.u32 $0x1, s1  }
0x8c: {  	s16 =	sshll.u32 s0, $0xA;
	s2 =	sadd.s32 s3, s2  }
0x8d: {  	s2 =	sadd.s32 s2, s16  }
0x8e: {  	[smem:$0x3FBF] =	sst s2  }
0x8f: {  	_ = 	snop  }
0x90: {  	(tm) =	ssettm $0x1  }
0x91: {  	s17 =	sld [smem:$0x3FFB];
	_ =	sdelay $0x3  }
0x92: {  	_ =	strace s17  }
0x93: {  	s2 =	sld [smem:$0x3FFC];
	_ =	sdelay $0x3  }
0x94: {  	_ =	strace s2  }
0x95: {  	s2 =	sld [smem:$0x3FFD];
	_ =	sdelay $0x3  }
0x96: {  	_ =	strace s2  }
0x97: {  	_ =	strace $0x8FFFFFFF  }
0x98: {  	s18 =	sld [smem:$0x3FDB];
	_ =	sdelay $0x1  }
0x99: {  	s19 =	simm.s32 $_scs_section_size  }
0x9a: {  	s4 =	simm.s32 $_size__tile_overlayer_lowered;
	s5 =	simm.s32 $_tile_overlayer_lowered  }
0x9b: {  	s22 =	simm.s32 $0x1BFF;
	s21 =	sshll.u32 s5, $0x1;
	s2 =	sadd.s32 s19, s18  }
0x9c: {  	s6 =	simm.s32 $0x0;
	s20 =	sshll.u32 s4, $0x1;
	s4 =	sadd.s32 s21, s2  }
0x9d: {  	[timem:s6], [sflag:s22] =	dma.local [hbm:s4], s20  }
0x9e: {  	_ =	swait.ge [sflag:s22], s20  }
0x9f: {  	s3 =	ssub.s32 $0x0, s20;
	[sflag:s22] =	ssyncset.done $0x0  }
0xa0: {  	[sflag:s22] =	ssyncadd.s32 s3;
	_ =	sdelay $0x1  }
0xa1: {  	s23 =	simm.s32 $0x1B8B  }
0xa2: {  	_ =	swait.ge [sflag:s23], $0x1  }
0xa3: {  	[sflag:s23] =	ssyncset.done $0x0  }
0xa4: {  	s25 =	simm.s32 $0x1B8E;
	s24 =	sld [smem:$0x3FFE];
	[sflag:s23] =	ssyncadd.s32 $0xFFFFFFFF  }
0xa5: {  	s26 =	simm.s32 $execute0_lowered;
	[smem:$0x3FD2] =	sst s25  }
0xa6: {  	s4 =	sshll.u32 s26, $0x1;
	_ =	strace $0x80000046;
	[dreg:$0x1] =	wrdreg $0xFFFFFFFF  }
0xa7: {  	s28 =	simm.s32 $_size_execute0_lowered;
	s2 =	sadd.s32 s2, s4;
	[dreg:$0x0] =	wrdreg $0x0  }
0xa8: {  	s4 =	sshll.u32 s28, $0x1;
	[dreg:$0x2] =	wrdreg s2  }
0xa9: {  	[dreg:$0x3] =	wrdreg s4  }
0xaa: {  	[dreg:$0x4] =	wrdreg $0xC0  }
0xab: {  	_ =	task [dreg:s6], $0x5FFFF  }
0xac: {  	[dreg:$0x1] =	wrdreg $0xFFFFFFFF  }
0xad: {  	[dreg:$0x0] =	wrdreg $0x60  }
0xae: {  	[dreg:$0x2] =	wrdreg s24  }
0xaf: {  	[dreg:$0x3] =	wrdreg $0x28800  }
0xb0: {  	[dreg:$0x4] =	wrdreg $0x9  }
0xb1: {  	_ =	task.clear_ibuf [dreg:s6], $0x5FFFF;
	_ =	strace $0x90000046  }
0xb2: {  	s29 =	simm.s32 $0x9;
	_ =	strace $0x80000048  }
0xb3: {  	_ =	swait.ge [sflag:s29], $0x1  }
0xb4: {  	[sflag:s29] =	ssyncadd.s32 $0xFFFFFFFF  }
0xb5: {  	_ =	strace $0x90000048  }
0xb6: {  	_ =	sfence  }
0xb7: {  	s30 =	sld [smem:$0x0];
	_ =	sdelay $0x2  }
0xb8: {  	s31 =	sshll.u32 s1, $0xD;
	s1 =	sshrl.u32 s1, $0x2  }
0xb9: {  	s3 =	sand.u32 $0x4000, s31;
	s1 =	sadd.s32 s1, s30  }
0xba: {  	s0 =	sor.u32 s3, s0;
	s1 =	sshll.u32 s1, $0x11  }
0xbb: {  	s0 =	sor.u32 s1, s0  }
0xbc: {  	s0 =	sadd.s32 $0x8F2B, s0  }
0xbd: {  	[sflag:s0] =	ssyncadd.remote.s32 $0x1  }
0xbe: {  	_ =	sfence.sel $0xFFFF  }
0xbf: {  	[dreg:$0x0] =	wrdreg $0xFFFFFFFF;
	(pc) =	sbr.abs _section_cstart, $3  }
0xc0: {  	[dreg:$0x1] =	wrdreg $0xFFFFFFFF  }
0xc1: {  	_ =	task.clear_ibuf [dreg:s6], $0x2FFFF;
	_ =	strace $0x9FFFFFFF  }
0xc2: {  	(tm) =	ssettm $0x7FFFFFFF  }
0xc3: {  	_ =	shalt  }
tec
execute0_lowered:
.L_overlay_start_1:
0x0: {  	(tag) =	ssettag $0x1  }
0x1: {  	s1 =	srdreg.scid  }
0x2: {  	s0 =	stileid.u32;
	s5 =	rddreg [dreg:$0x0]  }
0x3: {  	s2 =	rddreg [dreg:$0x1];
	s3 =	simm.s32 $0x0;
	s12 =	simm.s32 $0x2800  }
0x4: {  	s13 =	simm.s32 $0x1;
	s14 =	simm.s32 $0x0;
	s4 =	sand.u32 $0x1, s1  }
0x5: {  	s30 =	sshll.u32 s0, $0x1;
	s7 =	smul.u32 $0x280, s0;
	[smem:$0x7FF] =	sst s3  }
0x6: {  	s31 =	sshll.u32 s0, $0x6;
	s1 =	sor.u32 s4, s30;
	s8 =	smul.u32 $0x2800, s4  }
0x7: {  	s4 =	ssub.s32 $0x2, s4;
	s6 =	smul.u32 $0x500, s1;
	s1 =	rddreg [dreg:$0x2]  }
0x8: {  	_ =	strace $0x80000047;
	s9 =	sshrl.u32 s7, $0x3;
	s10 =	sshrl.u32 s4, $0x1  }
0x9: {  	s11 =	sadd.s32 s7, s2;
	s8 =	sadd.s32 s7, s8;
	s9 =	sadd.s32 s9, s5  }
0xa: {  	s10 =	ssub.s32 s4, s10;
	s6 =	sadd.s32 s6, s5;
	s8 =	sshrl.u32 s8, $0x3  }
0xb: {  	s4 =	sadd.s32 $0xC200, s9;
	s9 =	sshrl.u32 s11, $0x3;
	s11 =	simm.s32 $0x80  }
0xc: {  	s8 =	sadd.s32 s8, s5;
	s5 =	sor.u32 $0x1C02, s31;
	s6 =	sadd.s32 $0x2200, s6  }
0xd: {  	v0 =	vimm.f32 $1.000000000e+00;
	s7 =	sadd.s32 $0xC800, s8;
	s8 =	smax.u32 s10, $0x1;
	s10 =	simm.s32 $0x2  }
.LBB2_1:
0xe: {  	[tilespmem:$0x2800] =	vst v0  }
0xf: {  	[tilespmem:$0x2810] =	vst v0  }
0x10: {  	[tilespmem:$0x2820] =	vst v0  }
0x11: {  	[tilespmem:$0x2830] =	vst v0  }
0x12: {  	[tilespmem:$0x2840] =	vst v0  }
0x13: {  	[tilespmem:$0x2850] =	vst v0  }
0x14: {  	[tilespmem:$0x2860] =	vst v0  }
0x15: {  	[tilespmem:$0x2870] =	vst v0  }
0x16: {  	[spmem:s9], [sflag:s5] =	dma.local [hbm:s4], $0x50  }
0x17: {  	_ =	swait.ge [sflag:s10], $0x50  }
0x18: {  	[sflag:s10] =	ssyncset.done $0x0  }
0x19: {  	[sflag:s10] =	ssyncadd.s32 $0xFFFFFFB0  }
0x1a: {  	[tilespmem:s3], [sflag:$0x2] =	stream.linear.gather [hbm4b:s6+s3], $0x2800, $0x38;
	[tilespmem:$0x2B00] =	vst v63  }
0x1b: {  	_ =	swait.ge [sflag:s10], $0x2800  }
0x1c: {  	[sflag:s10] =	ssyncset.done $0x0  }
0x1d: {  	[sflag:s10] =	ssyncadd.s32 $0xFFFFD800  }
0x1e: {  	s15 =	simm.s32 $0x200;
	s16 =	simm.s32 $0x0;
	[bflag:$0x0] =	sbarrier.arrive $0xFFFF  }
.LBB2_2:
0x1f: {  	[spmem:s2] =	stream.indirect.scatter.add.f32 [tilespmem:s12], [sflag:$0x1], $0x1, s16, s11, $0xb8;
	[tilespmem:$0x2B00] =	vst v63  }
0x20: {  	s16 =	smov.u32 s15;
	p0 =	sne.s32 s15, $0x9E00  }
.Ltmp0:
0x21: {  	s15 =	sadd.s32 $0x200, s15;
	(pc) =	sbr.rel @p0 .LBB2_2-.Ltmp0, $2  }
0x22: {  	_ =	sdelay $0x2  }
0x23: {  	s16 =	sshra.s32 s16, $0x2  }
0x24: {  	[spmem:s2] =	stream.indirect.scatter.add.f32 [tilespmem:s12], [sflag:$0x1], $0x1, s16, s11, $0xb8;
	[tilespmem:$0x2B00] =	vst v63  }
0x25: {  	_ =	swait.ge [sflag:s13], $0x2800  }
0x26: {  	s14 =	sadd.s32 $0x1, s14;
	[sflag:s13] =	ssyncset.done $0x0  }
0x27: {  	p0 =	sne.s32 s14, s8;
	[sflag:s13] =	ssyncadd.s32 $0xFFFFD800  }
.Ltmp1:
0x28: {  	[bflag:$0x0] =	sbarrier.arrive $0xFFFF;
	(pc) =	sbr.rel @p0 .LBB2_1-.Ltmp1, $4  }
0x29: {  	[hbm:s7], [sflag:s5] =	dma.local [spmem:s9], $0x50  }
0x2a: {  	_ =	swait.ge [sflag:s10], $0x50  }
0x2b: {  	[sflag:s10] =	ssyncset.done $0x0  }
0x2c: {  	[sflag:s10] =	ssyncadd.s32 $0xFFFFFFB0  }
0x2d: {  	_ =	sfence.sel $0x180000  }
0x2e: {  	[bflag:$0x0] =	sbarrier.arrive $0xFFFF  }
0x2f: {  	p0 =	sne.s32 s0, $0x0;
	_ =	strace $0x90000047  }
0x30: {  	s0 =	sadd.s32 @!p0 $0x100000, s1;
	[bflag:$0x2] =	sbarrier.arrive $0xFFFF  }
0x31: {  	[sflag:s0] =	ssyncadd.tile.s32 @!p0 $0x1;
	_ =	shalt  }
.Lfunc_end2:
_tile_overlayer_lowered:
.L_overlay_start_2:
0x32: {  	(tag) =	ssettag $0x2  }
0x33: {  	s0 =	rddreg [dreg:$0x0];
	s2 =	stileid.u32  }
0x34: {  	s1 =	rddreg [dreg:$0x1];
	p0 =	sne.s32 s2, $0x0  }
0x35: {  	s3 =	rddreg [dreg:$0x2];
	[bflag:$0x3] =	sbarrier.arrive $0xFFFF;
	s2 =	simm.s32 @!p0 $0x1C02  }
0x36: {  	[timem:s3], [sflag:s2] =	dma.local @!p0 [hbm:s0], s1  }
0x37: {  	s0 =	simm.s32 @!p0 $0x2  }
0x38: {  	_ =	swait.ge @!p0 [sflag:s0], s1  }
0x39: {  	s1 =	ssub.s32 @!p0 $0x0, s1;
	[sflag:s0] =	ssyncset.done @!p0 $0x0  }
0x3a: {  	[sflag:s0] =	ssyncadd.s32 @!p0 s1  }
0x3b: {  	[bflag:$0x3] =	sbarrier.arrive $0xFFFF  }
0x3c: {  	_ =	shalt  }

</sc_bundles>
